<compile_context>
chip_gen: v7x
topology: tpu7x:2x2x1
jax: 0.10.2.dev20260603
libtpu: 0.0.44.dev20260713+nightly
codegen_flags: <defaults>
</compile_context>

<pallas_src>
import jax
import jax.numpy as jnp
from jax import lax
from jax.experimental import pallas as pl
from jax.experimental.pallas import tpu as pltpu
from jax.experimental.pallas import tpu_sc as plsc

BATCH = 16384
FIELDS = 100
VOCAB = 1000000
NC = 2
NS = 16
NW = NC * NS
ROWS_W = BATCH // NW
CHUNK = ROWS_W * FIELDS
QROWS = 128
Q = QROWS * FIELDS
NQ = ROWS_W // QROWS
SSH = 64000
HOP = Q
LANES = 16


def _body(x_hbm, tab_hbm, bias_hbm, out_hbm, shared_v, idx_v, vals_v, out_v,
          bias_v, sems_i, sems_g, sem_t):
    wid = lax.axis_index("s") * NC + lax.axis_index("c")
    sid = lax.axis_index("s")
    base = wid * CHUNK

    def stage_idx(q):
        b = q % 2
        pltpu.async_copy(x_hbm.at[pl.ds(base + q * Q, Q)],
                         idx_v.at[pl.ds(b * Q, Q)], sems_i.at[b])

    def wait_idx(q):
        b = q % 2
        pltpu.make_async_copy(x_hbm.at[pl.ds(base + q * Q, Q)],
                              idx_v.at[pl.ds(b * Q, Q)], sems_i.at[b]).wait()

    stage_idx(0)
    stage_idx(1)
    pltpu.sync_copy(bias_hbm, bias_v)

    off = jnp.minimum(sid * SSH, VOCAB - SSH)
    for h in range(SSH // HOP):
        o2 = off + h * HOP
        b = h % 2
        pltpu.async_copy(tab_hbm.at[pl.ds(o2, HOP)],
                         vals_v.at[pl.ds(b * Q, Q)], sem_t).wait()
        pltpu.async_copy(vals_v.at[pl.ds(b * Q, Q)],
                         shared_v.at[pl.ds(o2, HOP)], sem_t).wait()
    plsc.subcore_barrier()

    def fire_gather(q):
        b = q % 2
        pltpu.async_copy(shared_v.at[idx_v.at[pl.ds(b * Q, Q)]],
                         vals_v.at[pl.ds(b * Q, Q)], sems_g.at[b])

    def wait_gather(q):
        b = q % 2
        pltpu.make_async_copy(shared_v.at[idx_v.at[pl.ds(b * Q, Q)]],
                              vals_v.at[pl.ds(b * Q, Q)], sems_g.at[b]).wait()

    bias_vec = bias_v[...]
    lane_off = lax.iota(jnp.int32, LANES) * FIELDS

    def reduce_quarter(q):
        b = q % 2

        def outer(i, carry):
            ibase = lane_off + (b * Q + i * LANES * FIELDS)

            def inner(j, acc):
                return acc + plsc.load_gather(vals_v, [ibase + j])

            acc = lax.fori_loop(0, FIELDS, inner,
                                jnp.zeros((LANES,), jnp.float32), unroll=4)
            z = acc + bias_vec
            out_v[pl.ds(q * QROWS + i * LANES, LANES)] = \
                1.0 / (1.0 + jnp.exp(-z))
            return carry

        lax.fori_loop(0, QROWS // LANES, outer, 0)

    wait_idx(0)
    fire_gather(0)
    wait_idx(1)
    fire_gather(1)
    for q in range(NQ):
        wait_gather(q)
        if q + 2 < NQ:
            stage_idx(q + 2)
        reduce_quarter(q)
        if q + 2 < NQ:
            wait_idx(q + 2)
            fire_gather(q + 2)
    pltpu.sync_copy(out_v, out_hbm.at[pl.ds(wid * ROWS_W, ROWS_W)])


@jax.jit
def _run(x_flat, table_flat, bias16):
    mesh = plsc.VectorSubcoreMesh(core_axis_name="c", subcore_axis_name="s")
    f = pl.kernel(
        _body,
        out_type=jax.ShapeDtypeStruct((BATCH,), jnp.float32),
        mesh=mesh,
        scratch_types=[
            pltpu.VMEM_SHARED((VOCAB,), jnp.float32),
            pltpu.VMEM((2 * Q,), jnp.int32),
            pltpu.VMEM((2 * Q,), jnp.float32),
            pltpu.VMEM((ROWS_W,), jnp.float32),
            pltpu.VMEM((LANES,), jnp.float32),
            pltpu.SemaphoreType.DMA((2,)),
            pltpu.SemaphoreType.DMA((2,)),
            pltpu.SemaphoreType.DMA,
        ],
        compiler_params=pltpu.CompilerParams(needs_layout_passes=False),
    )
    return f(x_flat, table_flat, bias16)


def kernel(x, table, bias):
    return _run(x.reshape(-1), table.reshape(-1),
                jnp.broadcast_to(bias, (LANES,)))

# --- scband reference (transcript-rebuilt; emitter-appended) ---
"""Pipeline reference for scband-logistic-regression-84155589198092 (READ-ONLY COPY).

The authoritative reference and input builder live on the scoring server;
editing this copy changes nothing except your own understanding.
"""

import jax, jax.numpy as jnp
import numpy as np

VOCAB = 1000000
BATCH = 16384
FIELDS = 100

def setup_inputs(seed: int = 0) -> dict:
    key = jax.random.key(seed)
    k1, k2 = jax.random.split(key, 2)
    x = jax.random.randint(k1, (BATCH, FIELDS), 0, VOCAB, dtype=jnp.int32)
    # Embedding table [vocab, 1]; padding_idx=0 row initialized to zero (torch semantics)
    table = jax.random.normal(k2, (VOCAB, 1), dtype=jnp.float32) * 0.01
    table = table.at[0].set(0.0)
    bias = jnp.zeros((1,), dtype=jnp.float32)
    return {"x": x, "table": table, "bias": bias}

def reference(x, table, bias):
    # torch: out = sum(Embedding(x), dim=1) + bias; sigmoid(out.squeeze(1))
    emb = jnp.take(table, x, axis=0)          # [B, F, 1] gather
    out = jnp.sum(emb, axis=1) + bias          # [B, 1]
    return jax.nn.sigmoid(jnp.squeeze(out, axis=1))  # [B]

if __name__ == "__main__":
    import jax
    _d = setup_inputs()
    print(jax.jit(kernel)(*tuple(_d.values())))

</pallas_src>

<mosaic_0001>
#map = affine_map<(d0, d1) -> (0)>
module attributes {stable_mosaic.version = 14 : i64} {
  func.func @_body(%arg0: i32, %arg1: i32, %arg2: memref<1638400xi32, #tpu.memory_space<hbm>>, %arg3: memref<1000000xf32, #tpu.memory_space<hbm>>, %arg4: memref<16xf32, #tpu.memory_space<hbm>>, %arg5: memref<16384xf32, #tpu.memory_space<hbm>>, %arg6: memref<1000000xf32, #tpu.memory_space<vmem_shared>>, %arg7: memref<25600xi32, #tpu.memory_space<vmem>>, %arg8: memref<25600xf32, #tpu.memory_space<vmem>>, %arg9: memref<512xf32, #tpu.memory_space<vmem>>, %arg10: memref<16xf32, #tpu.memory_space<vmem>>, %arg11: memref<2x!tpu.dma_semaphore, #tpu.memory_space<semaphore_mem>>, %arg12: memref<2x!tpu.dma_semaphore, #tpu.memory_space<semaphore_mem>>, %arg13: memref<!tpu.dma_semaphore, #tpu.memory_space<semaphore_mem>>) attributes {dimension_semantics = [#tpu.dimension_semantics<core_parallel>, #tpu.dimension_semantics<subcore_parallel>], iteration_bounds = array<i64: 2, 16>, scalar_prefetch = 0 : i64, scratch_operands = 8 : i64, tpu.core_type = #tpu.core_type<sc_vector_subcore>, window_params = [{transform_indices = #map}, {transform_indices = #map}, {transform_indices = #map}, {transform_indices = #map}]} {
    %mul3A = arith.constant 2 : i32
    %mul3A_0 = arith.muli %arg1, %mul3A : i32
    %add3A = arith.addi %mul3A_0, %arg0 : i32
    %mul3A_1 = arith.constant 51200 : i32
    %mul3A_2 = arith.muli %add3A, %mul3A_1 : i32
    %add3A_3 = arith.constant 0 : i32
    %add3A_4 = arith.addi %mul3A_2, %add3A_3 : i32
    %dma_start3A = arith.constant 0 : i32
    %dma_start3A_5 = arith.constant 0 : i32
    %dma_start3A_6 = tpu.memref_slice %arg7[%dma_start3A_5] : memref<25600xi32, #tpu.memory_space<vmem>> -> memref<12800xi32, #tpu.memory_space<vmem>>
    %dma_start3A_7 = tpu.memref_slice %arg2[%add3A_4] : memref<1638400xi32, #tpu.memory_space<hbm>> -> memref<12800xi32, #tpu.memory_space<hbm>>
    %dma_start3A_8 = tpu.memref_slice %arg11[%dma_start3A] : memref<2x!tpu.dma_semaphore, #tpu.memory_space<semaphore_mem>> -> memref<1x!tpu.dma_semaphore, #tpu.memory_space<semaphore_mem>>
    %dma_start3A_9 = tpu.memref_squeeze %dma_start3A_8 : memref<1x!tpu.dma_semaphore, #tpu.memory_space<semaphore_mem>> -> memref<!tpu.dma_semaphore, #tpu.memory_space<semaphore_mem>>
    %dma_start3A_10 = arith.constant 0 : i32
    %dma_start3A_11 = tpu.memref_slice %arg7[%dma_start3A_10] : memref<25600xi32, #tpu.memory_space<vmem>> -> memref<12800xi32, #tpu.memory_space<vmem>>
    %dma_start3A_12 = tpu.memref_slice %arg2[%add3A_4] : memref<1638400xi32, #tpu.memory_space<hbm>> -> memref<12800xi32, #tpu.memory_space<hbm>>
    tpu.enqueue_dma source(%dma_start3A_12 : memref<12800xi32, #tpu.memory_space<hbm>>) target(%dma_start3A_11 : memref<12800xi32, #tpu.memory_space<vmem>>) target_semaphore(%dma_start3A_9 : memref<!tpu.dma_semaphore, #tpu.memory_space<semaphore_mem>>)
    %add3A_13 = arith.constant 12800 : i32
    %add3A_14 = arith.addi %mul3A_2, %add3A_13 : i32
    %dma_start3A_15 = arith.constant 1 : i32
    %dma_start3A_16 = arith.constant 12800 : i32
    %dma_start3A_17 = tpu.memref_slice %arg7[%dma_start3A_16] : memref<25600xi32, #tpu.memory_space<vmem>> -> memref<12800xi32, #tpu.memory_space<vmem>>
    %dma_start3A_18 = tpu.memref_slice %arg2[%add3A_14] : memref<1638400xi32, #tpu.memory_space<hbm>> -> memref<12800xi32, #tpu.memory_space<hbm>>
    %dma_start3A_19 = tpu.memref_slice %arg11[%dma_start3A_15] : memref<2x!tpu.dma_semaphore, #tpu.memory_space<semaphore_mem>> -> memref<1x!tpu.dma_semaphore, #tpu.memory_space<semaphore_mem>>
    %dma_start3A_20 = tpu.memref_squeeze %dma_start3A_19 : memref<1x!tpu.dma_semaphore, #tpu.memory_space<semaphore_mem>> -> memref<!tpu.dma_semaphore, #tpu.memory_space<semaphore_mem>>
    %dma_start3A_21 = arith.constant 12800 : i32
    %dma_start3A_22 = tpu.memref_slice %arg7[%dma_start3A_21] : memref<25600xi32, #tpu.memory_space<vmem>> -> memref<12800xi32, #tpu.memory_space<vmem>>
    %dma_start3A_23 = tpu.memref_slice %arg2[%add3A_14] : memref<1638400xi32, #tpu.memory_space<hbm>> -> memref<12800xi32, #tpu.memory_space<hbm>>
    tpu.enqueue_dma source(%dma_start3A_23 : memref<12800xi32, #tpu.memory_space<hbm>>) target(%dma_start3A_22 : memref<12800xi32, #tpu.memory_space<vmem>>) target_semaphore(%dma_start3A_20 : memref<!tpu.dma_semaphore, #tpu.memory_space<semaphore_mem>>)
    "tpu.region"() ({
      %run_scoped3A = tpu.sem_alloc : memref<!tpu.dma_semaphore, #tpu.memory_space<semaphore_mem>>
      tpu.enqueue_dma source(%arg4 : memref<16xf32, #tpu.memory_space<hbm>>) target(%arg10 : memref<16xf32, #tpu.memory_space<vmem>>) target_semaphore(%run_scoped3A : memref<!tpu.dma_semaphore, #tpu.memory_space<semaphore_mem>>)
      tpu.wait_dma2 semaphore(%run_scoped3A : memref<!tpu.dma_semaphore, #tpu.memory_space<semaphore_mem>>) src(%arg4 : memref<16xf32, #tpu.memory_space<hbm>>) dst(%arg10 : memref<16xf32, #tpu.memory_space<vmem>>)
      tpu.yield
    }) : () -> ()
    %mul3A_24 = arith.constant 64000 : i32
    %mul3A_25 = arith.muli %arg1, %mul3A_24 : i32
    %min3A = arith.constant 936000 : i32
    %min3A_26 = arith.minsi %mul3A_25, %min3A : i32
    %add3A_27 = arith.constant 0 : i32
    %add3A_28 = arith.addi %min3A_26, %add3A_27 : i32
    %dma_start3A_29 = arith.constant 0 : i32
    %dma_start3A_30 = tpu.memref_slice %arg8[%dma_start3A_29] : memref<25600xf32, #tpu.memory_space<vmem>> -> memref<12800xf32, #tpu.memory_space<vmem>>
    %dma_start3A_31 = tpu.memref_slice %arg3[%add3A_28] : memref<1000000xf32, #tpu.memory_space<hbm>> -> memref<12800xf32, #tpu.memory_space<hbm>>
    %dma_start3A_32 = arith.constant 0 : i32
    %dma_start3A_33 = tpu.memref_slice %arg8[%dma_start3A_32] : memref<25600xf32, #tpu.memory_space<vmem>> -> memref<12800xf32, #tpu.memory_space<vmem>>
    %dma_start3A_34 = tpu.memref_slice %arg3[%add3A_28] : memref<1000000xf32, #tpu.memory_space<hbm>> -> memref<12800xf32, #tpu.memory_space<hbm>>
    tpu.enqueue_dma source(%dma_start3A_34 : memref<12800xf32, #tpu.memory_space<hbm>>) target(%dma_start3A_33 : memref<12800xf32, #tpu.memory_space<vmem>>) target_semaphore(%arg13 : memref<!tpu.dma_semaphore, #tpu.memory_space<semaphore_mem>>)
    %dma_wait3A = arith.constant 0 : i32
    %dma_wait3A_35 = tpu.memref_slice %arg8[%dma_wait3A] : memref<25600xf32, #tpu.memory_space<vmem>> -> memref<12800xf32, #tpu.memory_space<vmem>>
    %dma_wait3A_36 = tpu.memref_slice %arg3[%add3A_28] : memref<1000000xf32, #tpu.memory_space<hbm>> -> memref<12800xf32, #tpu.memory_space<hbm>>
    %dma_wait3A_37 = arith.constant 0 : i32
    %dma_wait3A_38 = tpu.memref_slice %arg8[%dma_wait3A_37] : memref<25600xf32, #tpu.memory_space<vmem>> -> memref<12800xf32, #tpu.memory_space<vmem>>
    %dma_wait3A_39 = tpu.memref_slice %arg3[%add3A_28] : memref<1000000xf32, #tpu.memory_space<hbm>> -> memref<12800xf32, #tpu.memory_space<hbm>>
    tpu.wait_dma2 semaphore(%arg13 : memref<!tpu.dma_semaphore, #tpu.memory_space<semaphore_mem>>) src(%dma_wait3A_39 : memref<12800xf32, #tpu.memory_space<hbm>>) dst(%dma_wait3A_38 : memref<12800xf32, #tpu.memory_space<vmem>>)
    %dma_start3A_40 = arith.constant 0 : i32
    %dma_start3A_41 = tpu.memref_slice %arg8[%dma_start3A_40] : memref<25600xf32, #tpu.memory_space<vmem>> -> memref<12800xf32, #tpu.memory_space<vmem>>
    %dma_start3A_42 = tpu.memref_slice %arg6[%add3A_28] : memref<1000000xf32, #tpu.memory_space<vmem_shared>> -> memref<12800xf32, #tpu.memory_space<vmem_shared>>
    %dma_start3A_43 = tpu.memref_slice %arg6[%add3A_28] : memref<1000000xf32, #tpu.memory_space<vmem_shared>> -> memref<12800xf32, #tpu.memory_space<vmem_shared>>
    %dma_start3A_44 = arith.constant 0 : i32
    %dma_start3A_45 = tpu.memref_slice %arg8[%dma_start3A_44] : memref<25600xf32, #tpu.memory_space<vmem>> -> memref<12800xf32, #tpu.memory_space<vmem>>
    tpu.enqueue_dma source(%dma_start3A_45 : memref<12800xf32, #tpu.memory_space<vmem>>) target(%dma_start3A_43 : memref<12800xf32, #tpu.memory_space<vmem_shared>>) target_semaphore(%arg13 : memref<!tpu.dma_semaphore, #tpu.memory_space<semaphore_mem>>)
    %dma_wait3A_46 = arith.constant 0 : i32
    %dma_wait3A_47 = tpu.memref_slice %arg8[%dma_wait3A_46] : memref<25600xf32, #tpu.memory_space<vmem>> -> memref<12800xf32, #tpu.memory_space<vmem>>
    %dma_wait3A_48 = tpu.memref_slice %arg6[%add3A_28] : memref<1000000xf32, #tpu.memory_space<vmem_shared>> -> memref<12800xf32, #tpu.memory_space<vmem_shared>>
    %dma_wait3A_49 = tpu.memref_slice %arg6[%add3A_28] : memref<1000000xf32, #tpu.memory_space<vmem_shared>> -> memref<12800xf32, #tpu.memory_space<vmem_shared>>
    %dma_wait3A_50 = arith.constant 0 : i32
    %dma_wait3A_51 = tpu.memref_slice %arg8[%dma_wait3A_50] : memref<25600xf32, #tpu.memory_space<vmem>> -> memref<12800xf32, #tpu.memory_space<vmem>>
    tpu.wait_dma2 semaphore(%arg13 : memref<!tpu.dma_semaphore, #tpu.memory_space<semaphore_mem>>) src(%dma_wait3A_51 : memref<12800xf32, #tpu.memory_space<vmem>>) dst(%dma_wait3A_49 : memref<12800xf32, #tpu.memory_space<vmem_shared>>)
    %add3A_52 = arith.constant 12800 : i32
    %add3A_53 = arith.addi %min3A_26, %add3A_52 : i32
    %dma_start3A_54 = arith.constant 12800 : i32
    %dma_start3A_55 = tpu.memref_slice %arg8[%dma_start3A_54] : memref<25600xf32, #tpu.memory_space<vmem>> -> memref<12800xf32, #tpu.memory_space<vmem>>
    %dma_start3A_56 = tpu.memref_slice %arg3[%add3A_53] : memref<1000000xf32, #tpu.memory_space<hbm>> -> memref<12800xf32, #tpu.memory_space<hbm>>
    %dma_start3A_57 = arith.constant 12800 : i32
    %dma_start3A_58 = tpu.memref_slice %arg8[%dma_start3A_57] : memref<25600xf32, #tpu.memory_space<vmem>> -> memref<12800xf32, #tpu.memory_space<vmem>>
    %dma_start3A_59 = tpu.memref_slice %arg3[%add3A_53] : memref<1000000xf32, #tpu.memory_space<hbm>> -> memref<12800xf32, #tpu.memory_space<hbm>>
    tpu.enqueue_dma source(%dma_start3A_59 : memref<12800xf32, #tpu.memory_space<hbm>>) target(%dma_start3A_58 : memref<12800xf32, #tpu.memory_space<vmem>>) target_semaphore(%arg13 : memref<!tpu.dma_semaphore, #tpu.memory_space<semaphore_mem>>)
    %dma_wait3A_60 = arith.constant 12800 : i32
    %dma_wait3A_61 = tpu.memref_slice %arg8[%dma_wait3A_60] : memref<25600xf32, #tpu.memory_space<vmem>> -> memref<12800xf32, #tpu.memory_space<vmem>>
    %dma_wait3A_62 = tpu.memref_slice %arg3[%add3A_53] : memref<1000000xf32, #tpu.memory_space<hbm>> -> memref<12800xf32, #tpu.memory_space<hbm>>
    %dma_wait3A_63 = arith.constant 12800 : i32
    %dma_wait3A_64 = tpu.memref_slice %arg8[%dma_wait3A_63] : memref<25600xf32, #tpu.memory_space<vmem>> -> memref<12800xf32, #tpu.memory_space<vmem>>
    %dma_wait3A_65 = tpu.memref_slice %arg3[%add3A_53] : memref<1000000xf32, #tpu.memory_space<hbm>> -> memref<12800xf32, #tpu.memory_space<hbm>>
    tpu.wait_dma2 semaphore(%arg13 : memref<!tpu.dma_semaphore, #tpu.memory_space<semaphore_mem>>) src(%dma_wait3A_65 : memref<12800xf32, #tpu.memory_space<hbm>>) dst(%dma_wait3A_64 : memref<12800xf32, #tpu.memory_space<vmem>>)
    %dma_start3A_66 = arith.constant 12800 : i32
    %dma_start3A_67 = tpu.memref_slice %arg8[%dma_start3A_66] : memref<25600xf32, #tpu.memory_space<vmem>> -> memref<12800xf32, #tpu.memory_space<vmem>>
    %dma_start3A_68 = tpu.memref_slice %arg6[%add3A_53] : memref<1000000xf32, #tpu.memory_space<vmem_shared>> -> memref<12800xf32, #tpu.memory_space<vmem_shared>>
    %dma_start3A_69 = tpu.memref_slice %arg6[%add3A_53] : memref<1000000xf32, #tpu.memory_space<vmem_shared>> -> memref<12800xf32, #tpu.memory_space<vmem_shared>>
    %dma_start3A_70 = arith.constant 12800 : i32
    %dma_start3A_71 = tpu.memref_slice %arg8[%dma_start3A_70] : memref<25600xf32, #tpu.memory_space<vmem>> -> memref<12800xf32, #tpu.memory_space<vmem>>
    tpu.enqueue_dma source(%dma_start3A_71 : memref<12800xf32, #tpu.memory_space<vmem>>) target(%dma_start3A_69 : memref<12800xf32, #tpu.memory_space<vmem_shared>>) target_semaphore(%arg13 : memref<!tpu.dma_semaphore, #tpu.memory_space<semaphore_mem>>)
    %dma_wait3A_72 = arith.constant 12800 : i32
    %dma_wait3A_73 = tpu.memref_slice %arg8[%dma_wait3A_72] : memref<25600xf32, #tpu.memory_space<vmem>> -> memref<12800xf32, #tpu.memory_space<vmem>>
    %dma_wait3A_74 = tpu.memref_slice %arg6[%add3A_53] : memref<1000000xf32, #tpu.memory_space<vmem_shared>> -> memref<12800xf32, #tpu.memory_space<vmem_shared>>
    %dma_wait3A_75 = tpu.memref_slice %arg6[%add3A_53] : memref<1000000xf32, #tpu.memory_space<vmem_shared>> -> memref<12800xf32, #tpu.memory_space<vmem_shared>>
    %dma_wait3A_76 = arith.constant 12800 : i32
    %dma_wait3A_77 = tpu.memref_slice %arg8[%dma_wait3A_76] : memref<25600xf32, #tpu.memory_space<vmem>> -> memref<12800xf32, #tpu.memory_space<vmem>>
    tpu.wait_dma2 semaphore(%arg13 : memref<!tpu.dma_semaphore, #tpu.memory_space<semaphore_mem>>) src(%dma_wait3A_77 : memref<12800xf32, #tpu.memory_space<vmem>>) dst(%dma_wait3A_75 : memref<12800xf32, #tpu.memory_space<vmem_shared>>)
    %add3A_78 = arith.constant 25600 : i32
    %add3A_79 = arith.addi %min3A_26, %add3A_78 : i32
    %dma_start3A_80 = arith.constant 0 : i32
    %dma_start3A_81 = tpu.memref_slice %arg8[%dma_start3A_80] : memref<25600xf32, #tpu.memory_space<vmem>> -> memref<12800xf32, #tpu.memory_space<vmem>>
    %dma_start3A_82 = tpu.memref_slice %arg3[%add3A_79] : memref<1000000xf32, #tpu.memory_space<hbm>> -> memref<12800xf32, #tpu.memory_space<hbm>>
    %dma_start3A_83 = arith.constant 0 : i32
    %dma_start3A_84 = tpu.memref_slice %arg8[%dma_start3A_83] : memref<25600xf32, #tpu.memory_space<vmem>> -> memref<12800xf32, #tpu.memory_space<vmem>>
    %dma_start3A_85 = tpu.memref_slice %arg3[%add3A_79] : memref<1000000xf32, #tpu.memory_space<hbm>> -> memref<12800xf32, #tpu.memory_space<hbm>>
    tpu.enqueue_dma source(%dma_start3A_85 : memref<12800xf32, #tpu.memory_space<hbm>>) target(%dma_start3A_84 : memref<12800xf32, #tpu.memory_space<vmem>>) target_semaphore(%arg13 : memref<!tpu.dma_semaphore, #tpu.memory_space<semaphore_mem>>)
    %dma_wait3A_86 = arith.constant 0 : i32
    %dma_wait3A_87 = tpu.memref_slice %arg8[%dma_wait3A_86] : memref<25600xf32, #tpu.memory_space<vmem>> -> memref<12800xf32, #tpu.memory_space<vmem>>
    %dma_wait3A_88 = tpu.memref_slice %arg3[%add3A_79] : memref<1000000xf32, #tpu.memory_space<hbm>> -> memref<12800xf32, #tpu.memory_space<hbm>>
    %dma_wait3A_89 = arith.constant 0 : i32
    %dma_wait3A_90 = tpu.memref_slice %arg8[%dma_wait3A_89] : memref<25600xf32, #tpu.memory_space<vmem>> -> memref<12800xf32, #tpu.memory_space<vmem>>
    %dma_wait3A_91 = tpu.memref_slice %arg3[%add3A_79] : memref<1000000xf32, #tpu.memory_space<hbm>> -> memref<12800xf32, #tpu.memory_space<hbm>>
    tpu.wait_dma2 semaphore(%arg13 : memref<!tpu.dma_semaphore, #tpu.memory_space<semaphore_mem>>) src(%dma_wait3A_91 : memref<12800xf32, #tpu.memory_space<hbm>>) dst(%dma_wait3A_90 : memref<12800xf32, #tpu.memory_space<vmem>>)
    %dma_start3A_92 = arith.constant 0 : i32
    %dma_start3A_93 = tpu.memref_slice %arg8[%dma_start3A_92] : memref<25600xf32, #tpu.memory_space<vmem>> -> memref<12800xf32, #tpu.memory_space<vmem>>
    %dma_start3A_94 = tpu.memref_slice %arg6[%add3A_79] : memref<1000000xf32, #tpu.memory_space<vmem_shared>> -> memref<12800xf32, #tpu.memory_space<vmem_shared>>
    %dma_start3A_95 = tpu.memref_slice %arg6[%add3A_79] : memref<1000000xf32, #tpu.memory_space<vmem_shared>> -> memref<12800xf32, #tpu.memory_space<vmem_shared>>
    %dma_start3A_96 = arith.constant 0 : i32
    %dma_start3A_97 = tpu.memref_slice %arg8[%dma_start3A_96] : memref<25600xf32, #tpu.memory_space<vmem>> -> memref<12800xf32, #tpu.memory_space<vmem>>
    tpu.enqueue_dma source(%dma_start3A_97 : memref<12800xf32, #tpu.memory_space<vmem>>) target(%dma_start3A_95 : memref<12800xf32, #tpu.memory_space<vmem_shared>>) target_semaphore(%arg13 : memref<!tpu.dma_semaphore, #tpu.memory_space<semaphore_mem>>)
    %dma_wait3A_98 = arith.constant 0 : i32
    %dma_wait3A_99 = tpu.memref_slice %arg8[%dma_wait3A_98] : memref<25600xf32, #tpu.memory_space<vmem>> -> memref<12800xf32, #tpu.memory_space<vmem>>
    %dma_wait3A_100 = tpu.memref_slice %arg6[%add3A_79] : memref<1000000xf32, #tpu.memory_space<vmem_shared>> -> memref<12800xf32, #tpu.memory_space<vmem_shared>>
    %dma_wait3A_101 = tpu.memref_slice %arg6[%add3A_79] : memref<1000000xf32, #tpu.memory_space<vmem_shared>> -> memref<12800xf32, #tpu.memory_space<vmem_shared>>
    %dma_wait3A_102 = arith.constant 0 : i32
    %dma_wait3A_103 = tpu.memref_slice %arg8[%dma_wait3A_102] : memref<25600xf32, #tpu.memory_space<vmem>> -> memref<12800xf32, #tpu.memory_space<vmem>>
    tpu.wait_dma2 semaphore(%arg13 : memref<!tpu.dma_semaphore, #tpu.memory_space<semaphore_mem>>) src(%dma_wait3A_103 : memref<12800xf32, #tpu.memory_space<vmem>>) dst(%dma_wait3A_101 : memref<12800xf32, #tpu.memory_space<vmem_shared>>)
    %add3A_104 = arith.constant 38400 : i32
    %add3A_105 = arith.addi %min3A_26, %add3A_104 : i32
    %dma_start3A_106 = arith.constant 12800 : i32
    %dma_start3A_107 = tpu.memref_slice %arg8[%dma_start3A_106] : memref<25600xf32, #tpu.memory_space<vmem>> -> memref<12800xf32, #tpu.memory_space<vmem>>
    %dma_start3A_108 = tpu.memref_slice %arg3[%add3A_105] : memref<1000000xf32, #tpu.memory_space<hbm>> -> memref<12800xf32, #tpu.memory_space<hbm>>
    %dma_start3A_109 = arith.constant 12800 : i32
    %dma_start3A_110 = tpu.memref_slice %arg8[%dma_start3A_109] : memref<25600xf32, #tpu.memory_space<vmem>> -> memref<12800xf32, #tpu.memory_space<vmem>>
    %dma_start3A_111 = tpu.memref_slice %arg3[%add3A_105] : memref<1000000xf32, #tpu.memory_space<hbm>> -> memref<12800xf32, #tpu.memory_space<hbm>>
    tpu.enqueue_dma source(%dma_start3A_111 : memref<12800xf32, #tpu.memory_space<hbm>>) target(%dma_start3A_110 : memref<12800xf32, #tpu.memory_space<vmem>>) target_semaphore(%arg13 : memref<!tpu.dma_semaphore, #tpu.memory_space<semaphore_mem>>)
    %dma_wait3A_112 = arith.constant 12800 : i32
    %dma_wait3A_113 = tpu.memref_slice %arg8[%dma_wait3A_112] : memref<25600xf32, #tpu.memory_space<vmem>> -> memref<12800xf32, #tpu.memory_space<vmem>>
    %dma_wait3A_114 = tpu.memref_slice %arg3[%add3A_105] : memref<1000000xf32, #tpu.memory_space<hbm>> -> memref<12800xf32, #tpu.memory_space<hbm>>
    %dma_wait3A_115 = arith.constant 12800 : i32
    %dma_wait3A_116 = tpu.memref_slice %arg8[%dma_wait3A_115] : memref<25600xf32, #tpu.memory_space<vmem>> -> memref<12800xf32, #tpu.memory_space<vmem>>
    %dma_wait3A_117 = tpu.memref_slice %arg3[%add3A_105] : memref<1000000xf32, #tpu.memory_space<hbm>> -> memref<12800xf32, #tpu.memory_space<hbm>>
    tpu.wait_dma2 semaphore(%arg13 : memref<!tpu.dma_semaphore, #tpu.memory_space<semaphore_mem>>) src(%dma_wait3A_117 : memref<12800xf32, #tpu.memory_space<hbm>>) dst(%dma_wait3A_116 : memref<12800xf32, #tpu.memory_space<vmem>>)
    %dma_start3A_118 = arith.constant 12800 : i32
    %dma_start3A_119 = tpu.memref_slice %arg8[%dma_start3A_118] : memref<25600xf32, #tpu.memory_space<vmem>> -> memref<12800xf32, #tpu.memory_space<vmem>>
    %dma_start3A_120 = tpu.memref_slice %arg6[%add3A_105] : memref<1000000xf32, #tpu.memory_space<vmem_shared>> -> memref<12800xf32, #tpu.memory_space<vmem_shared>>
    %dma_start3A_121 = tpu.memref_slice %arg6[%add3A_105] : memref<1000000xf32, #tpu.memory_space<vmem_shared>> -> memref<12800xf32, #tpu.memory_space<vmem_shared>>
    %dma_start3A_122 = arith.constant 12800 : i32
    %dma_start3A_123 = tpu.memref_slice %arg8[%dma_start3A_122] : memref<25600xf32, #tpu.memory_space<vmem>> -> memref<12800xf32, #tpu.memory_space<vmem>>
    tpu.enqueue_dma source(%dma_start3A_123 : memref<12800xf32, #tpu.memory_space<vmem>>) target(%dma_start3A_121 : memref<12800xf32, #tpu.memory_space<vmem_shared>>) target_semaphore(%arg13 : memref<!tpu.dma_semaphore, #tpu.memory_space<semaphore_mem>>)
    %dma_wait3A_124 = arith.constant 12800 : i32
    %dma_wait3A_125 = tpu.memref_slice %arg8[%dma_wait3A_124] : memref<25600xf32, #tpu.memory_space<vmem>> -> memref<12800xf32, #tpu.memory_space<vmem>>
    %dma_wait3A_126 = tpu.memref_slice %arg6[%add3A_105] : memref<1000000xf32, #tpu.memory_space<vmem_shared>> -> memref<12800xf32, #tpu.memory_space<vmem_shared>>
    %dma_wait3A_127 = tpu.memref_slice %arg6[%add3A_105] : memref<1000000xf32, #tpu.memory_space<vmem_shared>> -> memref<12800xf32, #tpu.memory_space<vmem_shared>>
    %dma_wait3A_128 = arith.constant 12800 : i32
    %dma_wait3A_129 = tpu.memref_slice %arg8[%dma_wait3A_128] : memref<25600xf32, #tpu.memory_space<vmem>> -> memref<12800xf32, #tpu.memory_space<vmem>>
    tpu.wait_dma2 semaphore(%arg13 : memref<!tpu.dma_semaphore, #tpu.memory_space<semaphore_mem>>) src(%dma_wait3A_129 : memref<12800xf32, #tpu.memory_space<vmem>>) dst(%dma_wait3A_127 : memref<12800xf32, #tpu.memory_space<vmem_shared>>)
    %add3A_130 = arith.constant 51200 : i32
    %add3A_131 = arith.addi %min3A_26, %add3A_130 : i32
    %dma_start3A_132 = arith.constant 0 : i32
    %dma_start3A_133 = tpu.memref_slice %arg8[%dma_start3A_132] : memref<25600xf32, #tpu.memory_space<vmem>> -> memref<12800xf32, #tpu.memory_space<vmem>>
    %dma_start3A_134 = tpu.memref_slice %arg3[%add3A_131] : memref<1000000xf32, #tpu.memory_space<hbm>> -> memref<12800xf32, #tpu.memory_space<hbm>>
    %dma_start3A_135 = arith.constant 0 : i32
    %dma_start3A_136 = tpu.memref_slice %arg8[%dma_start3A_135] : memref<25600xf32, #tpu.memory_space<vmem>> -> memref<12800xf32, #tpu.memory_space<vmem>>
    %dma_start3A_137 = tpu.memref_slice %arg3[%add3A_131] : memref<1000000xf32, #tpu.memory_space<hbm>> -> memref<12800xf32, #tpu.memory_space<hbm>>
    tpu.enqueue_dma source(%dma_start3A_137 : memref<12800xf32, #tpu.memory_space<hbm>>) target(%dma_start3A_136 : memref<12800xf32, #tpu.memory_space<vmem>>) target_semaphore(%arg13 : memref<!tpu.dma_semaphore, #tpu.memory_space<semaphore_mem>>)
    %dma_wait3A_138 = arith.constant 0 : i32
    %dma_wait3A_139 = tpu.memref_slice %arg8[%dma_wait3A_138] : memref<25600xf32, #tpu.memory_space<vmem>> -> memref<12800xf32, #tpu.memory_space<vmem>>
    %dma_wait3A_140 = tpu.memref_slice %arg3[%add3A_131] : memref<1000000xf32, #tpu.memory_space<hbm>> -> memref<12800xf32, #tpu.memory_space<hbm>>
    %dma_wait3A_141 = arith.constant 0 : i32
    %dma_wait3A_142 = tpu.memref_slice %arg8[%dma_wait3A_141] : memref<25600xf32, #tpu.memory_space<vmem>> -> memref<12800xf32, #tpu.memory_space<vmem>>
    %dma_wait3A_143 = tpu.memref_slice %arg3[%add3A_131] : memref<1000000xf32, #tpu.memory_space<hbm>> -> memref<12800xf32, #tpu.memory_space<hbm>>
    tpu.wait_dma2 semaphore(%arg13 : memref<!tpu.dma_semaphore, #tpu.memory_space<semaphore_mem>>) src(%dma_wait3A_143 : memref<12800xf32, #tpu.memory_space<hbm>>) dst(%dma_wait3A_142 : memref<12800xf32, #tpu.memory_space<vmem>>)
    %dma_start3A_144 = arith.constant 0 : i32
    %dma_start3A_145 = tpu.memref_slice %arg8[%dma_start3A_144] : memref<25600xf32, #tpu.memory_space<vmem>> -> memref<12800xf32, #tpu.memory_space<vmem>>
    %dma_start3A_146 = tpu.memref_slice %arg6[%add3A_131] : memref<1000000xf32, #tpu.memory_space<vmem_shared>> -> memref<12800xf32, #tpu.memory_space<vmem_shared>>
    %dma_start3A_147 = tpu.memref_slice %arg6[%add3A_131] : memref<1000000xf32, #tpu.memory_space<vmem_shared>> -> memref<12800xf32, #tpu.memory_space<vmem_shared>>
    %dma_start3A_148 = arith.constant 0 : i32
    %dma_start3A_149 = tpu.memref_slice %arg8[%dma_start3A_148] : memref<25600xf32, #tpu.memory_space<vmem>> -> memref<12800xf32, #tpu.memory_space<vmem>>
    tpu.enqueue_dma source(%dma_start3A_149 : memref<12800xf32, #tpu.memory_space<vmem>>) target(%dma_start3A_147 : memref<12800xf32, #tpu.memory_space<vmem_shared>>) target_semaphore(%arg13 : memref<!tpu.dma_semaphore, #tpu.memory_space<semaphore_mem>>)
    %dma_wait3A_150 = arith.constant 0 : i32
    %dma_wait3A_151 = tpu.memref_slice %arg8[%dma_wait3A_150] : memref<25600xf32, #tpu.memory_space<vmem>> -> memref<12800xf32, #tpu.memory_space<vmem>>
    %dma_wait3A_152 = tpu.memref_slice %arg6[%add3A_131] : memref<1000000xf32, #tpu.memory_space<vmem_shared>> -> memref<12800xf32, #tpu.memory_space<vmem_shared>>
    %dma_wait3A_153 = tpu.memref_slice %arg6[%add3A_131] : memref<1000000xf32, #tpu.memory_space<vmem_shared>> -> memref<12800xf32, #tpu.memory_space<vmem_shared>>
    %dma_wait3A_154 = arith.constant 0 : i32
    %dma_wait3A_155 = tpu.memref_slice %arg8[%dma_wait3A_154] : memref<25600xf32, #tpu.memory_space<vmem>> -> memref<12800xf32, #tpu.memory_space<vmem>>
    tpu.wait_dma2 semaphore(%arg13 : memref<!tpu.dma_semaphore, #tpu.memory_space<semaphore_mem>>) src(%dma_wait3A_155 : memref<12800xf32, #tpu.memory_space<vmem>>) dst(%dma_wait3A_153 : memref<12800xf32, #tpu.memory_space<vmem_shared>>)
    %barrier3A = arith.constant 0 : index
    tpu.barrier barrier_id(%barrier3A)
    %get3A = arith.constant 0 : index
    %get3A_156 = tpu.vector_load %arg10[%get3A] {strides = array<i32>} : memref<16xf32, #tpu.memory_space<vmem>>, vector<16xf32>,
    %iota3A = tpu.iota {dimensions = array<i32: 0>} : vector<16xi32>
    %mul3A_157 = arith.constant 100 : i32
    %mul3A_158 = vector.broadcast %mul3A_157 : i32 to vector<16xi32>
    %mul3A_159 = arith.muli %iota3A, %mul3A_158 : vector<16xi32>
    %add3A_160 = arith.constant 0 : i32
    %add3A_161 = arith.addi %mul3A_2, %add3A_160 : i32
    %dma_wait3A_162 = arith.constant 0 : i32
    %dma_wait3A_163 = arith.constant 0 : i32
    %dma_wait3A_164 = tpu.memref_slice %arg7[%dma_wait3A_163] : memref<25600xi32, #tpu.memory_space<vmem>> -> memref<12800xi32, #tpu.memory_space<vmem>>
    %dma_wait3A_165 = tpu.memref_slice %arg2[%add3A_161] : memref<1638400xi32, #tpu.memory_space<hbm>> -> memref<12800xi32, #tpu.memory_space<hbm>>
    %dma_wait3A_166 = tpu.memref_slice %arg11[%dma_wait3A_162] : memref<2x!tpu.dma_semaphore, #tpu.memory_space<semaphore_mem>> -> memref<1x!tpu.dma_semaphore, #tpu.memory_space<semaphore_mem>>
    %dma_wait3A_167 = tpu.memref_squeeze %dma_wait3A_166 : memref<1x!tpu.dma_semaphore, #tpu.memory_space<semaphore_mem>> -> memref<!tpu.dma_semaphore, #tpu.memory_space<semaphore_mem>>
    %dma_wait3A_168 = arith.constant 0 : i32
    %dma_wait3A_169 = tpu.memref_slice %arg7[%dma_wait3A_168] : memref<25600xi32, #tpu.memory_space<vmem>> -> memref<12800xi32, #tpu.memory_space<vmem>>
    %dma_wait3A_170 = tpu.memref_slice %arg2[%add3A_161] : memref<1638400xi32, #tpu.memory_space<hbm>> -> memref<12800xi32, #tpu.memory_space<hbm>>
    tpu.wait_dma2 semaphore(%dma_wait3A_167 : memref<!tpu.dma_semaphore, #tpu.memory_space<semaphore_mem>>) src(%dma_wait3A_170 : memref<12800xi32, #tpu.memory_space<hbm>>) dst(%dma_wait3A_169 : memref<12800xi32, #tpu.memory_space<vmem>>)
    %dma_start3A_171 = arith.constant 0 : i32
    %dma_start3A_172 = arith.constant 0 : i32
    %dma_start3A_173 = tpu.memref_slice %arg8[%dma_start3A_172] : memref<25600xf32, #tpu.memory_space<vmem>> -> memref<12800xf32, #tpu.memory_space<vmem>>
    %dma_start3A_174 = arith.constant 0 : i32
    %dma_start3A_175 = tpu.memref_slice %arg7[%dma_start3A_174] : memref<25600xi32, #tpu.memory_space<vmem>> -> memref<12800xi32, #tpu.memory_space<vmem>>
    %dma_start3A_176 = arith.constant 0 : i32
    %dma_start3A_177 = tpu.memref_slice %arg6[%dma_start3A_176] : memref<1000000xf32, #tpu.memory_space<vmem_shared>> -> memref<1000000xf32, #tpu.memory_space<vmem_shared>>
    %dma_start3A_178 = tpu.memref_slice %arg12[%dma_start3A_171] : memref<2x!tpu.dma_semaphore, #tpu.memory_space<semaphore_mem>> -> memref<1x!tpu.dma_semaphore, #tpu.memory_space<semaphore_mem>>
    %dma_start3A_179 = tpu.memref_squeeze %dma_start3A_178 : memref<1x!tpu.dma_semaphore, #tpu.memory_space<semaphore_mem>> -> memref<!tpu.dma_semaphore, #tpu.memory_space<semaphore_mem>>
    tpu.enqueue_indirect_dma source(%dma_start3A_177 : memref<1000000xf32, #tpu.memory_space<vmem_shared>>) target(%dma_start3A_173 : memref<12800xf32, #tpu.memory_space<vmem>>) offsets(%dma_start3A_175 : memref<12800xi32, #tpu.memory_space<vmem>>) semaphore(%dma_start3A_179 : memref<!tpu.dma_semaphore, #tpu.memory_space<semaphore_mem>>)
    %add3A_180 = arith.constant 12800 : i32
    %add3A_181 = arith.addi %mul3A_2, %add3A_180 : i32
    %dma_wait3A_182 = arith.constant 1 : i32
    %dma_wait3A_183 = arith.constant 12800 : i32
    %dma_wait3A_184 = tpu.memref_slice %arg7[%dma_wait3A_183] : memref<25600xi32, #tpu.memory_space<vmem>> -> memref<12800xi32, #tpu.memory_space<vmem>>
    %dma_wait3A_185 = tpu.memref_slice %arg2[%add3A_181] : memref<1638400xi32, #tpu.memory_space<hbm>> -> memref<12800xi32, #tpu.memory_space<hbm>>
    %dma_wait3A_186 = tpu.memref_slice %arg11[%dma_wait3A_182] : memref<2x!tpu.dma_semaphore, #tpu.memory_space<semaphore_mem>> -> memref<1x!tpu.dma_semaphore, #tpu.memory_space<semaphore_mem>>
    %dma_wait3A_187 = tpu.memref_squeeze %dma_wait3A_186 : memref<1x!tpu.dma_semaphore, #tpu.memory_space<semaphore_mem>> -> memref<!tpu.dma_semaphore, #tpu.memory_space<semaphore_mem>>
    %dma_wait3A_188 = arith.constant 12800 : i32
    %dma_wait3A_189 = tpu.memref_slice %arg7[%dma_wait3A_188] : memref<25600xi32, #tpu.memory_space<vmem>> -> memref<12800xi32, #tpu.memory_space<vmem>>
    %dma_wait3A_190 = tpu.memref_slice %arg2[%add3A_181] : memref<1638400xi32, #tpu.memory_space<hbm>> -> memref<12800xi32, #tpu.memory_space<hbm>>
    tpu.wait_dma2 semaphore(%dma_wait3A_187 : memref<!tpu.dma_semaphore, #tpu.memory_space<semaphore_mem>>) src(%dma_wait3A_190 : memref<12800xi32, #tpu.memory_space<hbm>>) dst(%dma_wait3A_189 : memref<12800xi32, #tpu.memory_space<vmem>>)
    %dma_start3A_191 = arith.constant 1 : i32
    %dma_start3A_192 = arith.constant 12800 : i32
    %dma_start3A_193 = tpu.memref_slice %arg8[%dma_start3A_192] : memref<25600xf32, #tpu.memory_space<vmem>> -> memref<12800xf32, #tpu.memory_space<vmem>>
    %dma_start3A_194 = arith.constant 12800 : i32
    %dma_start3A_195 = tpu.memref_slice %arg7[%dma_start3A_194] : memref<25600xi32, #tpu.memory_space<vmem>> -> memref<12800xi32, #tpu.memory_space<vmem>>
    %dma_start3A_196 = arith.constant 0 : i32
    %dma_start3A_197 = tpu.memref_slice %arg6[%dma_start3A_196] : memref<1000000xf32, #tpu.memory_space<vmem_shared>> -> memref<1000000xf32, #tpu.memory_space<vmem_shared>>
    %dma_start3A_198 = tpu.memref_slice %arg12[%dma_start3A_191] : memref<2x!tpu.dma_semaphore, #tpu.memory_space<semaphore_mem>> -> memref<1x!tpu.dma_semaphore, #tpu.memory_space<semaphore_mem>>
    %dma_start3A_199 = tpu.memref_squeeze %dma_start3A_198 : memref<1x!tpu.dma_semaphore, #tpu.memory_space<semaphore_mem>> -> memref<!tpu.dma_semaphore, #tpu.memory_space<semaphore_mem>>
    tpu.enqueue_indirect_dma source(%dma_start3A_197 : memref<1000000xf32, #tpu.memory_space<vmem_shared>>) target(%dma_start3A_193 : memref<12800xf32, #tpu.memory_space<vmem>>) offsets(%dma_start3A_195 : memref<12800xi32, #tpu.memory_space<vmem>>) semaphore(%dma_start3A_199 : memref<!tpu.dma_semaphore, #tpu.memory_space<semaphore_mem>>)
    %dma_wait3A_200 = arith.constant 0 : i32
    %dma_wait3A_201 = arith.constant 0 : i32
    %dma_wait3A_202 = tpu.memref_slice %arg8[%dma_wait3A_201] : memref<25600xf32, #tpu.memory_space<vmem>> -> memref<12800xf32, #tpu.memory_space<vmem>>
    %dma_wait3A_203 = arith.constant 0 : i32
    %dma_wait3A_204 = tpu.memref_slice %arg7[%dma_wait3A_203] : memref<25600xi32, #tpu.memory_space<vmem>> -> memref<12800xi32, #tpu.memory_space<vmem>>
    %dma_wait3A_205 = arith.constant 0 : i32
    %dma_wait3A_206 = tpu.memref_slice %arg6[%dma_wait3A_205] : memref<1000000xf32, #tpu.memory_space<vmem_shared>> -> memref<1000000xf32, #tpu.memory_space<vmem_shared>>
    %dma_wait3A_207 = tpu.memref_slice %arg12[%dma_wait3A_200] : memref<2x!tpu.dma_semaphore, #tpu.memory_space<semaphore_mem>> -> memref<1x!tpu.dma_semaphore, #tpu.memory_space<semaphore_mem>>
    %dma_wait3A_208 = tpu.memref_squeeze %dma_wait3A_207 : memref<1x!tpu.dma_semaphore, #tpu.memory_space<semaphore_mem>> -> memref<!tpu.dma_semaphore, #tpu.memory_space<semaphore_mem>>
    tpu.wait_indirect_dma semaphore(%dma_wait3A_208 : memref<!tpu.dma_semaphore, #tpu.memory_space<semaphore_mem>>) src(%dma_wait3A_206 : memref<1000000xf32, #tpu.memory_space<vmem_shared>>) dst(%dma_wait3A_202 : memref<12800xf32, #tpu.memory_space<vmem>>)
    %add3A_209 = arith.constant 25600 : i32
    %add3A_210 = arith.addi %mul3A_2, %add3A_209 : i32
    %dma_start3A_211 = arith.constant 0 : i32
    %dma_start3A_212 = arith.constant 0 : i32
    %dma_start3A_213 = tpu.memref_slice %arg7[%dma_start3A_212] : memref<25600xi32, #tpu.memory_space<vmem>> -> memref<12800xi32, #tpu.memory_space<vmem>>
    %dma_start3A_214 = tpu.memref_slice %arg2[%add3A_210] : memref<1638400xi32, #tpu.memory_space<hbm>> -> memref<12800xi32, #tpu.memory_space<hbm>>
    %dma_start3A_215 = tpu.memref_slice %arg11[%dma_start3A_211] : memref<2x!tpu.dma_semaphore, #tpu.memory_space<semaphore_mem>> -> memref<1x!tpu.dma_semaphore, #tpu.memory_space<semaphore_mem>>
    %dma_start3A_216 = tpu.memref_squeeze %dma_start3A_215 : memref<1x!tpu.dma_semaphore, #tpu.memory_space<semaphore_mem>> -> memref<!tpu.dma_semaphore, #tpu.memory_space<semaphore_mem>>
    %dma_start3A_217 = arith.constant 0 : i32
    %dma_start3A_218 = tpu.memref_slice %arg7[%dma_start3A_217] : memref<25600xi32, #tpu.memory_space<vmem>> -> memref<12800xi32, #tpu.memory_space<vmem>>
    %dma_start3A_219 = tpu.memref_slice %arg2[%add3A_210] : memref<1638400xi32, #tpu.memory_space<hbm>> -> memref<12800xi32, #tpu.memory_space<hbm>>
    tpu.enqueue_dma source(%dma_start3A_219 : memref<12800xi32, #tpu.memory_space<hbm>>) target(%dma_start3A_218 : memref<12800xi32, #tpu.memory_space<vmem>>) target_semaphore(%dma_start3A_216 : memref<!tpu.dma_semaphore, #tpu.memory_space<semaphore_mem>>)
    %scan3A = arith.constant 0 : i32
    %scan3A_220 = arith.constant 0 : i32
    %scan3A_221 = arith.constant 8 : i32
    %scan3A_222 = arith.addi %scan3A_220, %scan3A_221 : i32
    %scan3A_223 = arith.constant 1 : i32
    scf.for %scan3A_323 = %scan3A_220 to %scan3A_222 step %scan3A_223  : i32 {
      %mul3A_324 = arith.constant 16 : i32
      %mul3A_325 = arith.muli %scan3A_323, %mul3A_324 : i32
      %mul3A_326 = arith.constant 100 : i32
      %mul3A_327 = arith.muli %mul3A_325, %mul3A_326 : i32
      %add3A_328 = arith.constant 0 : i32
      %add3A_329 = arith.addi %add3A_328, %mul3A_327 : i32
      %add3A_330 = vector.broadcast %add3A_329 : i32 to vector<16xi32>
      %add3A_331 = arith.addi %mul3A_159, %add3A_330 : vector<16xi32>
      %broadcast_in_dim3A = arith.constant 0.000000e+00 : f32
      %broadcast_in_dim3A_332 = vector.broadcast %broadcast_in_dim3A : f32 to vector<16xf32>
      %scan3A_333 = arith.constant 0 : i32
      %scan3A_334 = arith.constant 100 : i32
      %scan3A_335 = arith.addi %scan3A_333, %scan3A_334 : i32
      %scan3A_336 = arith.constant 4 : i32
      %scan3A_337 = scf.for %scan3A_352 = %scan3A_333 to %scan3A_335 step %scan3A_336 iter_args(%scan3A_353 = %broadcast_in_dim3A_332) -> (vector<16xf32>)  : i32 {
        %add3A_354 = vector.broadcast %scan3A_352 : i32 to vector<16xi32>
        %add3A_355 = arith.addi %add3A_331, %add3A_354 : vector<16xi32>
        %gather3A = tpu.vector_load_idx %arg8[%add3A_355] : memref<25600xf32, #tpu.memory_space<vmem>>[vector<16xi32>], vector<16xf32>,
        %add3A_356 = arith.addf %scan3A_353, %gather3A : vector<16xf32>
        %scan3A_357 = arith.constant 1 : i32
        %scan3A_358 = arith.addi %scan3A_352, %scan3A_357 : i32
        %add3A_359 = vector.broadcast %scan3A_358 : i32 to vector<16xi32>
        %add3A_360 = arith.addi %add3A_331, %add3A_359 : vector<16xi32>
        %gather3A_361 = tpu.vector_load_idx %arg8[%add3A_360] : memref<25600xf32, #tpu.memory_space<vmem>>[vector<16xi32>], vector<16xf32>,
        %add3A_362 = arith.addf %add3A_356, %gather3A_361 : vector<16xf32>
        %scan3A_363 = arith.constant 2 : i32
        %scan3A_364 = arith.addi %scan3A_352, %scan3A_363 : i32
        %add3A_365 = vector.broadcast %scan3A_364 : i32 to vector<16xi32>
        %add3A_366 = arith.addi %add3A_331, %add3A_365 : vector<16xi32>
        %gather3A_367 = tpu.vector_load_idx %arg8[%add3A_366] : memref<25600xf32, #tpu.memory_space<vmem>>[vector<16xi32>], vector<16xf32>,
        %add3A_368 = arith.addf %add3A_362, %gather3A_367 : vector<16xf32>
        %scan3A_369 = arith.constant 3 : i32
        %scan3A_370 = arith.addi %scan3A_352, %scan3A_369 : i32
        %add3A_371 = vector.broadcast %scan3A_370 : i32 to vector<16xi32>
        %add3A_372 = arith.addi %add3A_331, %add3A_371 : vector<16xi32>
        %gather3A_373 = tpu.vector_load_idx %arg8[%add3A_372] : memref<25600xf32, #tpu.memory_space<vmem>>[vector<16xi32>], vector<16xf32>,
        %add3A_374 = arith.addf %add3A_368, %gather3A_373 : vector<16xf32>
        scf.yield %add3A_374 : vector<16xf32>
      }
      %scan3A_338 = arith.constant 100 : i32
      %add3A_339 = arith.addf %scan3A_337, %get3A_156 : vector<16xf32>
      %neg3A = arith.constant 0.000000e+00 : f32
      %neg3A_340 = vector.broadcast %neg3A : f32 to vector<16xf32>
      %neg3A_341 = arith.subf %neg3A_340, %add3A_339 : vector<16xf32>
      %exp3A = math.exp %neg3A_341 : vector<16xf32>
      %add3A_342 = arith.constant 1.000000e+00 : f32
      %add3A_343 = vector.broadcast %add3A_342 : f32 to vector<16xf32>
      %add3A_344 = arith.addf %add3A_343, %exp3A : vector<16xf32>
      %div3A = arith.constant 1.000000e+00 : f32
      %div3A_345 = vector.broadcast %div3A : f32 to vector<16xf32>
      %div3A_346 = arith.divf %div3A_345, %add3A_344 : vector<16xf32>
      %mul3A_347 = arith.constant 16 : i32
      %mul3A_348 = arith.muli %scan3A_323, %mul3A_347 : i32
      %add3A_349 = arith.constant 0 : i32
      %add3A_350 = arith.addi %add3A_349, %mul3A_348 : i32
      %swap3A = arith.index_cast %add3A_350 : i32 to index
      %swap3A_351 = tpu.vector_load %arg9[%swap3A] {strides = array<i32>} : memref<512xf32, #tpu.memory_space<vmem>>, vector<16xf32>,
      tpu.vector_store %arg9[%swap3A], %div3A_346 {strides = array<i32>} : memref<512xf32, #tpu.memory_space<vmem>>, vector<16xf32>,
    }
    %scan3A_224 = arith.constant 8 : i32
    %add3A_225 = arith.constant 25600 : i32
    %add3A_226 = arith.addi %mul3A_2, %add3A_225 : i32
    %dma_wait3A_227 = arith.constant 0 : i32
    %dma_wait3A_228 = arith.constant 0 : i32
    %dma_wait3A_229 = tpu.memref_slice %arg7[%dma_wait3A_228] : memref<25600xi32, #tpu.memory_space<vmem>> -> memref<12800xi32, #tpu.memory_space<vmem>>
    %dma_wait3A_230 = tpu.memref_slice %arg2[%add3A_226] : memref<1638400xi32, #tpu.memory_space<hbm>> -> memref<12800xi32, #tpu.memory_space<hbm>>
    %dma_wait3A_231 = tpu.memref_slice %arg11[%dma_wait3A_227] : memref<2x!tpu.dma_semaphore, #tpu.memory_space<semaphore_mem>> -> memref<1x!tpu.dma_semaphore, #tpu.memory_space<semaphore_mem>>
    %dma_wait3A_232 = tpu.memref_squeeze %dma_wait3A_231 : memref<1x!tpu.dma_semaphore, #tpu.memory_space<semaphore_mem>> -> memref<!tpu.dma_semaphore, #tpu.memory_space<semaphore_mem>>
    %dma_wait3A_233 = arith.constant 0 : i32
    %dma_wait3A_234 = tpu.memref_slice %arg7[%dma_wait3A_233] : memref<25600xi32, #tpu.memory_space<vmem>> -> memref<12800xi32, #tpu.memory_space<vmem>>
    %dma_wait3A_235 = tpu.memref_slice %arg2[%add3A_226] : memref<1638400xi32, #tpu.memory_space<hbm>> -> memref<12800xi32, #tpu.memory_space<hbm>>
    tpu.wait_dma2 semaphore(%dma_wait3A_232 : memref<!tpu.dma_semaphore, #tpu.memory_space<semaphore_mem>>) src(%dma_wait3A_235 : memref<12800xi32, #tpu.memory_space<hbm>>) dst(%dma_wait3A_234 : memref<12800xi32, #tpu.memory_space<vmem>>)
    %dma_start3A_236 = arith.constant 0 : i32
    %dma_start3A_237 = arith.constant 0 : i32
    %dma_start3A_238 = tpu.memref_slice %arg8[%dma_start3A_237] : memref<25600xf32, #tpu.memory_space<vmem>> -> memref<12800xf32, #tpu.memory_space<vmem>>
    %dma_start3A_239 = arith.constant 0 : i32
    %dma_start3A_240 = tpu.memref_slice %arg7[%dma_start3A_239] : memref<25600xi32, #tpu.memory_space<vmem>> -> memref<12800xi32, #tpu.memory_space<vmem>>
    %dma_start3A_241 = arith.constant 0 : i32
    %dma_start3A_242 = tpu.memref_slice %arg6[%dma_start3A_241] : memref<1000000xf32, #tpu.memory_space<vmem_shared>> -> memref<1000000xf32, #tpu.memory_space<vmem_shared>>
    %dma_start3A_243 = tpu.memref_slice %arg12[%dma_start3A_236] : memref<2x!tpu.dma_semaphore, #tpu.memory_space<semaphore_mem>> -> memref<1x!tpu.dma_semaphore, #tpu.memory_space<semaphore_mem>>
    %dma_start3A_244 = tpu.memref_squeeze %dma_start3A_243 : memref<1x!tpu.dma_semaphore, #tpu.memory_space<semaphore_mem>> -> memref<!tpu.dma_semaphore, #tpu.memory_space<semaphore_mem>>
    tpu.enqueue_indirect_dma source(%dma_start3A_242 : memref<1000000xf32, #tpu.memory_space<vmem_shared>>) target(%dma_start3A_238 : memref<12800xf32, #tpu.memory_space<vmem>>) offsets(%dma_start3A_240 : memref<12800xi32, #tpu.memory_space<vmem>>) semaphore(%dma_start3A_244 : memref<!tpu.dma_semaphore, #tpu.memory_space<semaphore_mem>>)
    %dma_wait3A_245 = arith.constant 1 : i32
    %dma_wait3A_246 = arith.constant 12800 : i32
    %dma_wait3A_247 = tpu.memref_slice %arg8[%dma_wait3A_246] : memref<25600xf32, #tpu.memory_space<vmem>> -> memref<12800xf32, #tpu.memory_space<vmem>>
    %dma_wait3A_248 = arith.constant 12800 : i32
    %dma_wait3A_249 = tpu.memref_slice %arg7[%dma_wait3A_248] : memref<25600xi32, #tpu.memory_space<vmem>> -> memref<12800xi32, #tpu.memory_space<vmem>>
    %dma_wait3A_250 = arith.constant 0 : i32
    %dma_wait3A_251 = tpu.memref_slice %arg6[%dma_wait3A_250] : memref<1000000xf32, #tpu.memory_space<vmem_shared>> -> memref<1000000xf32, #tpu.memory_space<vmem_shared>>
    %dma_wait3A_252 = tpu.memref_slice %arg12[%dma_wait3A_245] : memref<2x!tpu.dma_semaphore, #tpu.memory_space<semaphore_mem>> -> memref<1x!tpu.dma_semaphore, #tpu.memory_space<semaphore_mem>>
    %dma_wait3A_253 = tpu.memref_squeeze %dma_wait3A_252 : memref<1x!tpu.dma_semaphore, #tpu.memory_space<semaphore_mem>> -> memref<!tpu.dma_semaphore, #tpu.memory_space<semaphore_mem>>
    tpu.wait_indirect_dma semaphore(%dma_wait3A_253 : memref<!tpu.dma_semaphore, #tpu.memory_space<semaphore_mem>>) src(%dma_wait3A_251 : memref<1000000xf32, #tpu.memory_space<vmem_shared>>) dst(%dma_wait3A_247 : memref<12800xf32, #tpu.memory_space<vmem>>)
    %add3A_254 = arith.constant 38400 : i32
    %add3A_255 = arith.addi %mul3A_2, %add3A_254 : i32
    %dma_start3A_256 = arith.constant 1 : i32
    %dma_start3A_257 = arith.constant 12800 : i32
    %dma_start3A_258 = tpu.memref_slice %arg7[%dma_start3A_257] : memref<25600xi32, #tpu.memory_space<vmem>> -> memref<12800xi32, #tpu.memory_space<vmem>>
    %dma_start3A_259 = tpu.memref_slice %arg2[%add3A_255] : memref<1638400xi32, #tpu.memory_space<hbm>> -> memref<12800xi32, #tpu.memory_space<hbm>>
    %dma_start3A_260 = tpu.memref_slice %arg11[%dma_start3A_256] : memref<2x!tpu.dma_semaphore, #tpu.memory_space<semaphore_mem>> -> memref<1x!tpu.dma_semaphore, #tpu.memory_space<semaphore_mem>>
    %dma_start3A_261 = tpu.memref_squeeze %dma_start3A_260 : memref<1x!tpu.dma_semaphore, #tpu.memory_space<semaphore_mem>> -> memref<!tpu.dma_semaphore, #tpu.memory_space<semaphore_mem>>
    %dma_start3A_262 = arith.constant 12800 : i32
    %dma_start3A_263 = tpu.memref_slice %arg7[%dma_start3A_262] : memref<25600xi32, #tpu.memory_space<vmem>> -> memref<12800xi32, #tpu.memory_space<vmem>>
    %dma_start3A_264 = tpu.memref_slice %arg2[%add3A_255] : memref<1638400xi32, #tpu.memory_space<hbm>> -> memref<12800xi32, #tpu.memory_space<hbm>>
    tpu.enqueue_dma source(%dma_start3A_264 : memref<12800xi32, #tpu.memory_space<hbm>>) target(%dma_start3A_263 : memref<12800xi32, #tpu.memory_space<vmem>>) target_semaphore(%dma_start3A_261 : memref<!tpu.dma_semaphore, #tpu.memory_space<semaphore_mem>>)
    %scan3A_265 = arith.constant 0 : i32
    %scan3A_266 = arith.constant 0 : i32
    %scan3A_267 = arith.constant 8 : i32
    %scan3A_268 = arith.addi %scan3A_266, %scan3A_267 : i32
    %scan3A_269 = arith.constant 1 : i32
    scf.for %scan3A_323 = %scan3A_266 to %scan3A_268 step %scan3A_269  : i32 {
      %mul3A_324 = arith.constant 16 : i32
      %mul3A_325 = arith.muli %scan3A_323, %mul3A_324 : i32
      %mul3A_326 = arith.constant 100 : i32
      %mul3A_327 = arith.muli %mul3A_325, %mul3A_326 : i32
      %add3A_328 = arith.constant 12800 : i32
      %add3A_329 = arith.addi %add3A_328, %mul3A_327 : i32
      %add3A_330 = vector.broadcast %add3A_329 : i32 to vector<16xi32>
      %add3A_331 = arith.addi %mul3A_159, %add3A_330 : vector<16xi32>
      %broadcast_in_dim3A = arith.constant 0.000000e+00 : f32
      %broadcast_in_dim3A_332 = vector.broadcast %broadcast_in_dim3A : f32 to vector<16xf32>
      %scan3A_333 = arith.constant 0 : i32
      %scan3A_334 = arith.constant 100 : i32
      %scan3A_335 = arith.addi %scan3A_333, %scan3A_334 : i32
      %scan3A_336 = arith.constant 4 : i32
      %scan3A_337 = scf.for %scan3A_352 = %scan3A_333 to %scan3A_335 step %scan3A_336 iter_args(%scan3A_353 = %broadcast_in_dim3A_332) -> (vector<16xf32>)  : i32 {
        %add3A_354 = vector.broadcast %scan3A_352 : i32 to vector<16xi32>
        %add3A_355 = arith.addi %add3A_331, %add3A_354 : vector<16xi32>
        %gather3A = tpu.vector_load_idx %arg8[%add3A_355] : memref<25600xf32, #tpu.memory_space<vmem>>[vector<16xi32>], vector<16xf32>,
        %add3A_356 = arith.addf %scan3A_353, %gather3A : vector<16xf32>
        %scan3A_357 = arith.constant 1 : i32
        %scan3A_358 = arith.addi %scan3A_352, %scan3A_357 : i32
        %add3A_359 = vector.broadcast %scan3A_358 : i32 to vector<16xi32>
        %add3A_360 = arith.addi %add3A_331, %add3A_359 : vector<16xi32>
        %gather3A_361 = tpu.vector_load_idx %arg8[%add3A_360] : memref<25600xf32, #tpu.memory_space<vmem>>[vector<16xi32>], vector<16xf32>,
        %add3A_362 = arith.addf %add3A_356, %gather3A_361 : vector<16xf32>
        %scan3A_363 = arith.constant 2 : i32
        %scan3A_364 = arith.addi %scan3A_352, %scan3A_363 : i32
        %add3A_365 = vector.broadcast %scan3A_364 : i32 to vector<16xi32>
        %add3A_366 = arith.addi %add3A_331, %add3A_365 : vector<16xi32>
        %gather3A_367 = tpu.vector_load_idx %arg8[%add3A_366] : memref<25600xf32, #tpu.memory_space<vmem>>[vector<16xi32>], vector<16xf32>,
        %add3A_368 = arith.addf %add3A_362, %gather3A_367 : vector<16xf32>
        %scan3A_369 = arith.constant 3 : i32
        %scan3A_370 = arith.addi %scan3A_352, %scan3A_369 : i32
        %add3A_371 = vector.broadcast %scan3A_370 : i32 to vector<16xi32>
        %add3A_372 = arith.addi %add3A_331, %add3A_371 : vector<16xi32>
        %gather3A_373 = tpu.vector_load_idx %arg8[%add3A_372] : memref<25600xf32, #tpu.memory_space<vmem>>[vector<16xi32>], vector<16xf32>,
        %add3A_374 = arith.addf %add3A_368, %gather3A_373 : vector<16xf32>
        scf.yield %add3A_374 : vector<16xf32>
      }
      %scan3A_338 = arith.constant 100 : i32
      %add3A_339 = arith.addf %scan3A_337, %get3A_156 : vector<16xf32>
      %neg3A = arith.constant 0.000000e+00 : f32
      %neg3A_340 = vector.broadcast %neg3A : f32 to vector<16xf32>
      %neg3A_341 = arith.subf %neg3A_340, %add3A_339 : vector<16xf32>
      %exp3A = math.exp %neg3A_341 : vector<16xf32>
      %add3A_342 = arith.constant 1.000000e+00 : f32
      %add3A_343 = vector.broadcast %add3A_342 : f32 to vector<16xf32>
      %add3A_344 = arith.addf %add3A_343, %exp3A : vector<16xf32>
      %div3A = arith.constant 1.000000e+00 : f32
      %div3A_345 = vector.broadcast %div3A : f32 to vector<16xf32>
      %div3A_346 = arith.divf %div3A_345, %add3A_344 : vector<16xf32>
      %mul3A_347 = arith.constant 16 : i32
      %mul3A_348 = arith.muli %scan3A_323, %mul3A_347 : i32
      %add3A_349 = arith.constant 128 : i32
      %add3A_350 = arith.addi %add3A_349, %mul3A_348 : i32
      %swap3A = arith.index_cast %add3A_350 : i32 to index
      %swap3A_351 = tpu.vector_load %arg9[%swap3A] {strides = array<i32>} : memref<512xf32, #tpu.memory_space<vmem>>, vector<16xf32>,
      tpu.vector_store %arg9[%swap3A], %div3A_346 {strides = array<i32>} : memref<512xf32, #tpu.memory_space<vmem>>, vector<16xf32>,
    }
    %scan3A_270 = arith.constant 8 : i32
    %add3A_271 = arith.constant 38400 : i32
    %add3A_272 = arith.addi %mul3A_2, %add3A_271 : i32
    %dma_wait3A_273 = arith.constant 1 : i32
    %dma_wait3A_274 = arith.constant 12800 : i32
    %dma_wait3A_275 = tpu.memref_slice %arg7[%dma_wait3A_274] : memref<25600xi32, #tpu.memory_space<vmem>> -> memref<12800xi32, #tpu.memory_space<vmem>>
    %dma_wait3A_276 = tpu.memref_slice %arg2[%add3A_272] : memref<1638400xi32, #tpu.memory_space<hbm>> -> memref<12800xi32, #tpu.memory_space<hbm>>
    %dma_wait3A_277 = tpu.memref_slice %arg11[%dma_wait3A_273] : memref<2x!tpu.dma_semaphore, #tpu.memory_space<semaphore_mem>> -> memref<1x!tpu.dma_semaphore, #tpu.memory_space<semaphore_mem>>
    %dma_wait3A_278 = tpu.memref_squeeze %dma_wait3A_277 : memref<1x!tpu.dma_semaphore, #tpu.memory_space<semaphore_mem>> -> memref<!tpu.dma_semaphore, #tpu.memory_space<semaphore_mem>>
    %dma_wait3A_279 = arith.constant 12800 : i32
    %dma_wait3A_280 = tpu.memref_slice %arg7[%dma_wait3A_279] : memref<25600xi32, #tpu.memory_space<vmem>> -> memref<12800xi32, #tpu.memory_space<vmem>>
    %dma_wait3A_281 = tpu.memref_slice %arg2[%add3A_272] : memref<1638400xi32, #tpu.memory_space<hbm>> -> memref<12800xi32, #tpu.memory_space<hbm>>
    tpu.wait_dma2 semaphore(%dma_wait3A_278 : memref<!tpu.dma_semaphore, #tpu.memory_space<semaphore_mem>>) src(%dma_wait3A_281 : memref<12800xi32, #tpu.memory_space<hbm>>) dst(%dma_wait3A_280 : memref<12800xi32, #tpu.memory_space<vmem>>)
    %dma_start3A_282 = arith.constant 1 : i32
    %dma_start3A_283 = arith.constant 12800 : i32
    %dma_start3A_284 = tpu.memref_slice %arg8[%dma_start3A_283] : memref<25600xf32, #tpu.memory_space<vmem>> -> memref<12800xf32, #tpu.memory_space<vmem>>
    %dma_start3A_285 = arith.constant 12800 : i32
    %dma_start3A_286 = tpu.memref_slice %arg7[%dma_start3A_285] : memref<25600xi32, #tpu.memory_space<vmem>> -> memref<12800xi32, #tpu.memory_space<vmem>>
    %dma_start3A_287 = arith.constant 0 : i32
    %dma_start3A_288 = tpu.memref_slice %arg6[%dma_start3A_287] : memref<1000000xf32, #tpu.memory_space<vmem_shared>> -> memref<1000000xf32, #tpu.memory_space<vmem_shared>>
    %dma_start3A_289 = tpu.memref_slice %arg12[%dma_start3A_282] : memref<2x!tpu.dma_semaphore, #tpu.memory_space<semaphore_mem>> -> memref<1x!tpu.dma_semaphore, #tpu.memory_space<semaphore_mem>>
    %dma_start3A_290 = tpu.memref_squeeze %dma_start3A_289 : memref<1x!tpu.dma_semaphore, #tpu.memory_space<semaphore_mem>> -> memref<!tpu.dma_semaphore, #tpu.memory_space<semaphore_mem>>
    tpu.enqueue_indirect_dma source(%dma_start3A_288 : memref<1000000xf32, #tpu.memory_space<vmem_shared>>) target(%dma_start3A_284 : memref<12800xf32, #tpu.memory_space<vmem>>) offsets(%dma_start3A_286 : memref<12800xi32, #tpu.memory_space<vmem>>) semaphore(%dma_start3A_290 : memref<!tpu.dma_semaphore, #tpu.memory_space<semaphore_mem>>)
    %dma_wait3A_291 = arith.constant 0 : i32
    %dma_wait3A_292 = arith.constant 0 : i32
    %dma_wait3A_293 = tpu.memref_slice %arg8[%dma_wait3A_292] : memref<25600xf32, #tpu.memory_space<vmem>> -> memref<12800xf32, #tpu.memory_space<vmem>>
    %dma_wait3A_294 = arith.constant 0 : i32
    %dma_wait3A_295 = tpu.memref_slice %arg7[%dma_wait3A_294] : memref<25600xi32, #tpu.memory_space<vmem>> -> memref<12800xi32, #tpu.memory_space<vmem>>
    %dma_wait3A_296 = arith.constant 0 : i32
    %dma_wait3A_297 = tpu.memref_slice %arg6[%dma_wait3A_296] : memref<1000000xf32, #tpu.memory_space<vmem_shared>> -> memref<1000000xf32, #tpu.memory_space<vmem_shared>>
    %dma_wait3A_298 = tpu.memref_slice %arg12[%dma_wait3A_291] : memref<2x!tpu.dma_semaphore, #tpu.memory_space<semaphore_mem>> -> memref<1x!tpu.dma_semaphore, #tpu.memory_space<semaphore_mem>>
    %dma_wait3A_299 = tpu.memref_squeeze %dma_wait3A_298 : memref<1x!tpu.dma_semaphore, #tpu.memory_space<semaphore_mem>> -> memref<!tpu.dma_semaphore, #tpu.memory_space<semaphore_mem>>
    tpu.wait_indirect_dma semaphore(%dma_wait3A_299 : memref<!tpu.dma_semaphore, #tpu.memory_space<semaphore_mem>>) src(%dma_wait3A_297 : memref<1000000xf32, #tpu.memory_space<vmem_shared>>) dst(%dma_wait3A_293 : memref<12800xf32, #tpu.memory_space<vmem>>)
    %scan3A_300 = arith.constant 0 : i32
    %scan3A_301 = arith.constant 0 : i32
    %scan3A_302 = arith.constant 8 : i32
    %scan3A_303 = arith.addi %scan3A_301, %scan3A_302 : i32
    %scan3A_304 = arith.constant 1 : i32
    scf.for %scan3A_323 = %scan3A_301 to %scan3A_303 step %scan3A_304  : i32 {
      %mul3A_324 = arith.constant 16 : i32
      %mul3A_325 = arith.muli %scan3A_323, %mul3A_324 : i32
      %mul3A_326 = arith.constant 100 : i32
      %mul3A_327 = arith.muli %mul3A_325, %mul3A_326 : i32
      %add3A_328 = arith.constant 0 : i32
      %add3A_329 = arith.addi %add3A_328, %mul3A_327 : i32
      %add3A_330 = vector.broadcast %add3A_329 : i32 to vector<16xi32>
      %add3A_331 = arith.addi %mul3A_159, %add3A_330 : vector<16xi32>
      %broadcast_in_dim3A = arith.constant 0.000000e+00 : f32
      %broadcast_in_dim3A_332 = vector.broadcast %broadcast_in_dim3A : f32 to vector<16xf32>
      %scan3A_333 = arith.constant 0 : i32
      %scan3A_334 = arith.constant 100 : i32
      %scan3A_335 = arith.addi %scan3A_333, %scan3A_334 : i32
      %scan3A_336 = arith.constant 4 : i32
      %scan3A_337 = scf.for %scan3A_352 = %scan3A_333 to %scan3A_335 step %scan3A_336 iter_args(%scan3A_353 = %broadcast_in_dim3A_332) -> (vector<16xf32>)  : i32 {
        %add3A_354 = vector.broadcast %scan3A_352 : i32 to vector<16xi32>
        %add3A_355 = arith.addi %add3A_331, %add3A_354 : vector<16xi32>
        %gather3A = tpu.vector_load_idx %arg8[%add3A_355] : memref<25600xf32, #tpu.memory_space<vmem>>[vector<16xi32>], vector<16xf32>,
        %add3A_356 = arith.addf %scan3A_353, %gather3A : vector<16xf32>
        %scan3A_357 = arith.constant 1 : i32
        %scan3A_358 = arith.addi %scan3A_352, %scan3A_357 : i32
        %add3A_359 = vector.broadcast %scan3A_358 : i32 to vector<16xi32>
        %add3A_360 = arith.addi %add3A_331, %add3A_359 : vector<16xi32>
        %gather3A_361 = tpu.vector_load_idx %arg8[%add3A_360] : memref<25600xf32, #tpu.memory_space<vmem>>[vector<16xi32>], vector<16xf32>,
        %add3A_362 = arith.addf %add3A_356, %gather3A_361 : vector<16xf32>
        %scan3A_363 = arith.constant 2 : i32
        %scan3A_364 = arith.addi %scan3A_352, %scan3A_363 : i32
        %add3A_365 = vector.broadcast %scan3A_364 : i32 to vector<16xi32>
        %add3A_366 = arith.addi %add3A_331, %add3A_365 : vector<16xi32>
        %gather3A_367 = tpu.vector_load_idx %arg8[%add3A_366] : memref<25600xf32, #tpu.memory_space<vmem>>[vector<16xi32>], vector<16xf32>,
        %add3A_368 = arith.addf %add3A_362, %gather3A_367 : vector<16xf32>
        %scan3A_369 = arith.constant 3 : i32
        %scan3A_370 = arith.addi %scan3A_352, %scan3A_369 : i32
        %add3A_371 = vector.broadcast %scan3A_370 : i32 to vector<16xi32>
        %add3A_372 = arith.addi %add3A_331, %add3A_371 : vector<16xi32>
        %gather3A_373 = tpu.vector_load_idx %arg8[%add3A_372] : memref<25600xf32, #tpu.memory_space<vmem>>[vector<16xi32>], vector<16xf32>,
        %add3A_374 = arith.addf %add3A_368, %gather3A_373 : vector<16xf32>
        scf.yield %add3A_374 : vector<16xf32>
      }
      %scan3A_338 = arith.constant 100 : i32
      %add3A_339 = arith.addf %scan3A_337, %get3A_156 : vector<16xf32>
      %neg3A = arith.constant 0.000000e+00 : f32
      %neg3A_340 = vector.broadcast %neg3A : f32 to vector<16xf32>
      %neg3A_341 = arith.subf %neg3A_340, %add3A_339 : vector<16xf32>
      %exp3A = math.exp %neg3A_341 : vector<16xf32>
      %add3A_342 = arith.constant 1.000000e+00 : f32
      %add3A_343 = vector.broadcast %add3A_342 : f32 to vector<16xf32>
      %add3A_344 = arith.addf %add3A_343, %exp3A : vector<16xf32>
      %div3A = arith.constant 1.000000e+00 : f32
      %div3A_345 = vector.broadcast %div3A : f32 to vector<16xf32>
      %div3A_346 = arith.divf %div3A_345, %add3A_344 : vector<16xf32>
      %mul3A_347 = arith.constant 16 : i32
      %mul3A_348 = arith.muli %scan3A_323, %mul3A_347 : i32
      %add3A_349 = arith.constant 256 : i32
      %add3A_350 = arith.addi %add3A_349, %mul3A_348 : i32
      %swap3A = arith.index_cast %add3A_350 : i32 to index
      %swap3A_351 = tpu.vector_load %arg9[%swap3A] {strides = array<i32>} : memref<512xf32, #tpu.memory_space<vmem>>, vector<16xf32>,
      tpu.vector_store %arg9[%swap3A], %div3A_346 {strides = array<i32>} : memref<512xf32, #tpu.memory_space<vmem>>, vector<16xf32>,
    }
    %scan3A_305 = arith.constant 8 : i32
    %dma_wait3A_306 = arith.constant 1 : i32
    %dma_wait3A_307 = arith.constant 12800 : i32
    %dma_wait3A_308 = tpu.memref_slice %arg8[%dma_wait3A_307] : memref<25600xf32, #tpu.memory_space<vmem>> -> memref<12800xf32, #tpu.memory_space<vmem>>
    %dma_wait3A_309 = arith.constant 12800 : i32
    %dma_wait3A_310 = tpu.memref_slice %arg7[%dma_wait3A_309] : memref<25600xi32, #tpu.memory_space<vmem>> -> memref<12800xi32, #tpu.memory_space<vmem>>
    %dma_wait3A_311 = arith.constant 0 : i32
    %dma_wait3A_312 = tpu.memref_slice %arg6[%dma_wait3A_311] : memref<1000000xf32, #tpu.memory_space<vmem_shared>> -> memref<1000000xf32, #tpu.memory_space<vmem_shared>>
    %dma_wait3A_313 = tpu.memref_slice %arg12[%dma_wait3A_306] : memref<2x!tpu.dma_semaphore, #tpu.memory_space<semaphore_mem>> -> memref<1x!tpu.dma_semaphore, #tpu.memory_space<semaphore_mem>>
    %dma_wait3A_314 = tpu.memref_squeeze %dma_wait3A_313 : memref<1x!tpu.dma_semaphore, #tpu.memory_space<semaphore_mem>> -> memref<!tpu.dma_semaphore, #tpu.memory_space<semaphore_mem>>
    tpu.wait_indirect_dma semaphore(%dma_wait3A_314 : memref<!tpu.dma_semaphore, #tpu.memory_space<semaphore_mem>>) src(%dma_wait3A_312 : memref<1000000xf32, #tpu.memory_space<vmem_shared>>) dst(%dma_wait3A_308 : memref<12800xf32, #tpu.memory_space<vmem>>)
    %scan3A_315 = arith.constant 0 : i32
    %scan3A_316 = arith.constant 0 : i32
    %scan3A_317 = arith.constant 8 : i32
    %scan3A_318 = arith.addi %scan3A_316, %scan3A_317 : i32
    %scan3A_319 = arith.constant 1 : i32
    scf.for %scan3A_323 = %scan3A_316 to %scan3A_318 step %scan3A_319  : i32 {
      %mul3A_324 = arith.constant 16 : i32
      %mul3A_325 = arith.muli %scan3A_323, %mul3A_324 : i32
      %mul3A_326 = arith.constant 100 : i32
      %mul3A_327 = arith.muli %mul3A_325, %mul3A_326 : i32
      %add3A_328 = arith.constant 12800 : i32
      %add3A_329 = arith.addi %add3A_328, %mul3A_327 : i32
      %add3A_330 = vector.broadcast %add3A_329 : i32 to vector<16xi32>
      %add3A_331 = arith.addi %mul3A_159, %add3A_330 : vector<16xi32>
      %broadcast_in_dim3A = arith.constant 0.000000e+00 : f32
      %broadcast_in_dim3A_332 = vector.broadcast %broadcast_in_dim3A : f32 to vector<16xf32>
      %scan3A_333 = arith.constant 0 : i32
      %scan3A_334 = arith.constant 100 : i32
      %scan3A_335 = arith.addi %scan3A_333, %scan3A_334 : i32
      %scan3A_336 = arith.constant 4 : i32
      %scan3A_337 = scf.for %scan3A_352 = %scan3A_333 to %scan3A_335 step %scan3A_336 iter_args(%scan3A_353 = %broadcast_in_dim3A_332) -> (vector<16xf32>)  : i32 {
        %add3A_354 = vector.broadcast %scan3A_352 : i32 to vector<16xi32>
        %add3A_355 = arith.addi %add3A_331, %add3A_354 : vector<16xi32>
        %gather3A = tpu.vector_load_idx %arg8[%add3A_355] : memref<25600xf32, #tpu.memory_space<vmem>>[vector<16xi32>], vector<16xf32>,
        %add3A_356 = arith.addf %scan3A_353, %gather3A : vector<16xf32>
        %scan3A_357 = arith.constant 1 : i32
        %scan3A_358 = arith.addi %scan3A_352, %scan3A_357 : i32
        %add3A_359 = vector.broadcast %scan3A_358 : i32 to vector<16xi32>
        %add3A_360 = arith.addi %add3A_331, %add3A_359 : vector<16xi32>
        %gather3A_361 = tpu.vector_load_idx %arg8[%add3A_360] : memref<25600xf32, #tpu.memory_space<vmem>>[vector<16xi32>], vector<16xf32>,
        %add3A_362 = arith.addf %add3A_356, %gather3A_361 : vector<16xf32>
        %scan3A_363 = arith.constant 2 : i32
        %scan3A_364 = arith.addi %scan3A_352, %scan3A_363 : i32
        %add3A_365 = vector.broadcast %scan3A_364 : i32 to vector<16xi32>
        %add3A_366 = arith.addi %add3A_331, %add3A_365 : vector<16xi32>
        %gather3A_367 = tpu.vector_load_idx %arg8[%add3A_366] : memref<25600xf32, #tpu.memory_space<vmem>>[vector<16xi32>], vector<16xf32>,
        %add3A_368 = arith.addf %add3A_362, %gather3A_367 : vector<16xf32>
        %scan3A_369 = arith.constant 3 : i32
        %scan3A_370 = arith.addi %scan3A_352, %scan3A_369 : i32
        %add3A_371 = vector.broadcast %scan3A_370 : i32 to vector<16xi32>
        %add3A_372 = arith.addi %add3A_331, %add3A_371 : vector<16xi32>
        %gather3A_373 = tpu.vector_load_idx %arg8[%add3A_372] : memref<25600xf32, #tpu.memory_space<vmem>>[vector<16xi32>], vector<16xf32>,
        %add3A_374 = arith.addf %add3A_368, %gather3A_373 : vector<16xf32>
        scf.yield %add3A_374 : vector<16xf32>
      }
      %scan3A_338 = arith.constant 100 : i32
      %add3A_339 = arith.addf %scan3A_337, %get3A_156 : vector<16xf32>
      %neg3A = arith.constant 0.000000e+00 : f32
      %neg3A_340 = vector.broadcast %neg3A : f32 to vector<16xf32>
      %neg3A_341 = arith.subf %neg3A_340, %add3A_339 : vector<16xf32>
      %exp3A = math.exp %neg3A_341 : vector<16xf32>
      %add3A_342 = arith.constant 1.000000e+00 : f32
      %add3A_343 = vector.broadcast %add3A_342 : f32 to vector<16xf32>
      %add3A_344 = arith.addf %add3A_343, %exp3A : vector<16xf32>
      %div3A = arith.constant 1.000000e+00 : f32
      %div3A_345 = vector.broadcast %div3A : f32 to vector<16xf32>
      %div3A_346 = arith.divf %div3A_345, %add3A_344 : vector<16xf32>
      %mul3A_347 = arith.constant 16 : i32
      %mul3A_348 = arith.muli %scan3A_323, %mul3A_347 : i32
      %add3A_349 = arith.constant 384 : i32
      %add3A_350 = arith.addi %add3A_349, %mul3A_348 : i32
      %swap3A = arith.index_cast %add3A_350 : i32 to index
      %swap3A_351 = tpu.vector_load %arg9[%swap3A] {strides = array<i32>} : memref<512xf32, #tpu.memory_space<vmem>>, vector<16xf32>,
      tpu.vector_store %arg9[%swap3A], %div3A_346 {strides = array<i32>} : memref<512xf32, #tpu.memory_space<vmem>>, vector<16xf32>,
    }
    %scan3A_320 = arith.constant 8 : i32
    %mul3A_321 = arith.constant 512 : i32
    %mul3A_322 = arith.muli %add3A, %mul3A_321 : i32
    "tpu.region"() ({
      %run_scoped3A = tpu.sem_alloc : memref<!tpu.dma_semaphore, #tpu.memory_space<semaphore_mem>>
      %dma_start3A_323 = tpu.memref_slice %arg5[%mul3A_322] : memref<16384xf32, #tpu.memory_space<hbm>> -> memref<512xf32, #tpu.memory_space<hbm>>
      %dma_start3A_324 = tpu.memref_slice %arg5[%mul3A_322] : memref<16384xf32, #tpu.memory_space<hbm>> -> memref<512xf32, #tpu.memory_space<hbm>>
      tpu.enqueue_dma source(%arg9 : memref<512xf32, #tpu.memory_space<vmem>>) target(%dma_start3A_324 : memref<512xf32, #tpu.memory_space<hbm>>) target_semaphore(%run_scoped3A : memref<!tpu.dma_semaphore, #tpu.memory_space<semaphore_mem>>)
      %dma_wait3A_325 = tpu.memref_slice %arg5[%mul3A_322] : memref<16384xf32, #tpu.memory_space<hbm>> -> memref<512xf32, #tpu.memory_space<hbm>>
      %dma_wait3A_326 = tpu.memref_slice %arg5[%mul3A_322] : memref<16384xf32, #tpu.memory_space<hbm>> -> memref<512xf32, #tpu.memory_space<hbm>>
      tpu.wait_dma2 semaphore(%run_scoped3A : memref<!tpu.dma_semaphore, #tpu.memory_space<semaphore_mem>>) src(%arg9 : memref<512xf32, #tpu.memory_space<vmem>>) dst(%dma_wait3A_326 : memref<512xf32, #tpu.memory_space<hbm>>)
      tpu.yield
    }) : () -> ()
    return
  }
}

</mosaic_0001>

<sc_bundles>
// kernel: _run.3.cloned.1.call-start
scs
__scs_entry_jumppad:
0x0: {  	(pc) =	sbr.rel $0x88, $3  }
0x1: {  	(tag) =	ssettag $0x0;
	lr =	simm.s32 $0x1  }
0x2: {  	[smem:$0x3F9E] =	sst lr;
	_ =	strace $0xD0000000  }
0x3: {  	_ = 	snop  }
0x4: {  	_ = 	snop  }
0x5: {  	_ = 	snop  }
0x6: {  	_ = 	snop  }
0x7: {  	_ = 	snop  }
__scs_overlays_trampoline_lowered:
0x8: {  	[smem:$0x3FAD] =	sst s0  }
0x9: {  	[smem:$0x3FAE] =	sst s1  }
0xa: {  	[smem:$0x3FAF] =	sst s2  }
0xb: {  	[smem:$0x3FB0] =	sst s3  }
0xc: {  	[smem:$0x3FB1] =	sst s4  }
0xd: {  	[smem:$0x3FB2] =	sst s5  }
0xe: {  	[smem:$0x3FB3] =	sst s6  }
0xf: {  	[smem:$0x3FB4] =	sst s7  }
0x10: {  	[smem:$0x3FB5] =	sst s8  }
0x11: {  	[smem:$0x3FB6] =	sst s9;
	s0 =	simm.s32 @!p0 $0x0  }
0x12: {  	s1 =	sld [smem:$0x3F9C];
	s0 =	simm.s32 @p0 $0x1  }
0x13: {  	[smem:$0x3FB7] =	sst s0;
	s0 =	simm.s32 @!p1 $0x0  }
0x14: {  	s2 =	sld [smem:$0x3F9B];
	s0 =	simm.s32 @p1 $0x1  }
0x15: {  	[smem:$0x3FB8] =	sst s0;
	s0 =	simm.s32 @!p2 $0x0  }
0x16: {  	s3 =	sld [smem:$0x3FDB];
	s0 =	simm.s32 @p2 $0x1  }
0x17: {  	s4 =	simm.s32 $0x1BF5;
	[smem:$0x3FBA] =	sst s0  }
0x18: {  	s0 =	sld [smem:$0x3F9D];
	_ =	swait.ge [sflag:s4], $0x0  }
0x19: {  	s7 =	sld [smem:$0x3F9E]  }
0x1a: {  	s8 =	sadd.s32 $0xFFFFE003, lr  }
0x1b: {  	s9 =	sadd.s32 $0xFFFFFEF7, lr;
	s5 =	simm.s32 $0xFFFFFFFF;
	p2 =	slt.u32 s8, $0xFFFFF086  }
0x1c: {  	p1 =	slt.u32 s9, $0xF7A;
	s5 =	simm.s32 @!p2 $0x0  }
0x1d: {  	s5 =	simm.s32 @p1 $0x1;
	p0 =	seq.s32 s7, s2  }
0x1e: {  	s7 =	smul.u32 @!p0 $0xF7A, s2;
	p2 =	seq.s32 @!p0 s5, $0x0  }
0x1f: {  	s9 =	smul.u32 $0xF7A, s1;
	s8 =	simm.s32 @!p0 $0x1BF5;
	p2 =	por !p2, p0  }
0x20: {  	[sflag:s8] =	ssyncset.s32 @!p0 $0xFFFFF086;
	s6 =	sadd.s32 @!p0 s3, s7;
	s7 =	simm.s32 @!p0 $0x108  }
0x21: {  	s3 =	sadd.s32 s3, s9;
	s6 =	sadd.s32 @!p0 $0x88, s6;
	s7 =	simm.s32 @p2 $0x1082  }
0x22: {  	[simem:s7], [sflag:s8] =	dma.local @!p0 [hbm:s6], $0xF7A  }
0x23: {  	s9 =	sor.u32 $0xD0000000, s2;
	s6 =	simm.s32 $0x108;
	_ =	swait.ge @!p0 [sflag:s8], $0x0  }
0x24: {  	s3 =	sadd.s32 $0x88, s3;
	s6 =	simm.s32 @!p1 $0x1082;
	[sflag:s4] =	ssyncset.s32 $0xFFFFF086  }
0x25: {  	[simem:s6], [sflag:s4] =	dma.local [hbm:s3], $0xF7A  }
0x26: {  	[smem:$0x3F9E] =	sst s1;
	(tag) =	ssettag s2;
	_ =	strace s9  }
0x27: {  	s1 =	sld [smem:$0x3FAE]  }
0x28: {  	s2 =	sld [smem:$0x3FAF]  }
0x29: {  	s4 =	sld [smem:$0x3FB1]  }
0x2a: {  	p0 =	seq.s32 s5, $0x0;
	s5 =	sld [smem:$0x3FB2]  }
0x2b: {  	s6 =	sld [smem:$0x3FB3]  }
0x2c: {  	s7 =	sld [smem:$0x3FB4]  }
0x2d: {  	s3 =	simm.s32 $0x108;
	s8 =	sld [smem:$0x3FB5]  }
0x2e: {  	s3 =	simm.s32 @!p0 $0x1082;
	s9 =	sld [smem:$0x3FB6]  }
0x2f: {  	lr =	sadd.s32 s0, s3;
	s0 =	sld [smem:$0x3FAD]  }
0x30: {  	s3 =	sld [smem:$0x3FB0]  }
0x31: {  	[smem:$0x3FB9] =	sst s10  }
0x32: {  	s10 =	sld [smem:$0x3FB7];
	_ =	sdelay $0x3  }
0x33: {  	p0 =	seq.s32 s10, $0x1;
	s10 =	sld [smem:$0x3FB9];
	_ =	sdelay $0x3  }
0x34: {  	[smem:$0x3FB9] =	sst s10  }
0x35: {  	s10 =	sld [smem:$0x3FB8];
	_ =	sdelay $0x3  }
0x36: {  	p1 =	seq.s32 s10, $0x1;
	s10 =	sld [smem:$0x3FB9];
	_ =	sdelay $0x3  }
0x37: {  	[smem:$0x3FB9] =	sst s10  }
0x38: {  	s10 =	sld [smem:$0x3FBA]  }
0x39: {  	_ = 	snop;
	(pc) =	sbr.ind lr, $3  }
0x3a: {  	_ = 	snop  }
0x3b: {  	_ = 	snop  }
0x3c: {  	p2 =	seq.s32 s10, $0x1;
	s10 =	sld [smem:$0x3FB9]  }
0x3d: {  	_ =	shalt  }
0x3e: {  	_ =	shalt  }
0x3f: {  	_ =	shalt  }
0x40: {  	_ =	shalt  }
0x41: {  	_ =	shalt  }
0x42: {  	_ =	shalt  }
0x43: {  	_ =	shalt  }
0x44: {  	_ =	shalt  }
0x45: {  	_ =	shalt  }
0x46: {  	_ =	shalt  }
0x47: {  	_ =	shalt  }
0x48: {  	_ =	shalt  }
0x49: {  	_ =	shalt  }
0x4a: {  	_ =	shalt  }
0x4b: {  	_ =	shalt  }
0x4c: {  	_ =	shalt  }
0x4d: {  	_ =	shalt  }
0x4e: {  	_ =	shalt  }
0x4f: {  	_ =	shalt  }
0x50: {  	_ =	shalt  }
0x51: {  	_ =	shalt  }
0x52: {  	_ =	shalt  }
0x53: {  	_ =	shalt  }
0x54: {  	_ =	shalt  }
0x55: {  	_ =	shalt  }
0x56: {  	_ =	shalt  }
0x57: {  	_ =	shalt  }
0x58: {  	_ =	shalt  }
0x59: {  	_ =	shalt  }
0x5a: {  	_ =	shalt  }
0x5b: {  	_ =	shalt  }
0x5c: {  	_ =	shalt  }
0x5d: {  	_ =	shalt  }
0x5e: {  	_ =	shalt  }
0x5f: {  	_ =	shalt  }
0x60: {  	_ =	shalt  }
0x61: {  	_ =	shalt  }
0x62: {  	_ =	shalt  }
0x63: {  	_ =	shalt  }
0x64: {  	_ =	shalt  }
0x65: {  	_ =	shalt  }
0x66: {  	_ =	shalt  }
0x67: {  	_ =	shalt  }
0x68: {  	_ =	shalt  }
0x69: {  	_ =	shalt  }
0x6a: {  	_ =	shalt  }
0x6b: {  	_ =	shalt  }
0x6c: {  	_ =	shalt  }
0x6d: {  	_ =	shalt  }
0x6e: {  	_ =	shalt  }
0x6f: {  	_ =	shalt  }
0x70: {  	_ =	shalt  }
0x71: {  	_ =	shalt  }
0x72: {  	_ =	shalt  }
0x73: {  	_ =	shalt  }
0x74: {  	_ =	shalt  }
0x75: {  	_ =	shalt  }
0x76: {  	_ =	shalt  }
0x77: {  	_ =	shalt  }
0x78: {  	_ =	shalt  }
0x79: {  	_ =	shalt  }
0x7a: {  	_ =	shalt  }
0x7b: {  	_ =	shalt  }
0x7c: {  	_ =	shalt  }
0x7d: {  	_ =	shalt  }
0x7e: {  	_ =	shalt  }
0x7f: {  	_ =	shalt  }
0x80: {  	_ =	shalt  }
0x81: {  	_ =	shalt  }
0x82: {  	_ =	shalt  }
0x83: {  	_ =	shalt  }
0x84: {  	_ =	shalt  }
0x85: {  	_ =	shalt  }
0x86: {  	_ =	shalt  }
0x87: {  	_ =	shalt  }
.Lfunc_end0:
.L_simem_size_0:
called_computation_lowered:
.L_overlay_start_0:
0x88: {  	s2 =	sld [smem:$0x3FD9]  }
0x89: {  	s3 =	sld [smem:$0x3FFE];
	_ =	sdelay $0x1  }
0x8a: {  	s1 =	srdreg.scid  }
0x8b: {  	s0 =	sand.u32 $0x1, s1  }
0x8c: {  	s18 =	sshll.u32 s0, $0xA;
	s2 =	sadd.s32 s3, s2  }
0x8d: {  	s2 =	sadd.s32 s2, s18  }
0x8e: {  	[smem:$0x3FC5] =	sst s2  }
0x8f: {  	_ = 	snop  }
0x90: {  	s2 =	sld [smem:$0x3FC9]  }
0x91: {  	s19 =	sld [smem:$0x3FC8]  }
0x92: {  	s4 =	sld [smem:$0x3FC7]  }
0x93: {  	s5 =	sld [smem:$0x3FD0];
	(tm) =	ssettm $0x1  }
0x94: {  	s6 =	sld [smem:$0x3FFB];
	_ =	sdelay $0x3  }
0x95: {  	_ =	strace s6  }
0x96: {  	s6 =	sld [smem:$0x3FFC];
	_ =	sdelay $0x3  }
0x97: {  	_ =	strace s6  }
0x98: {  	s6 =	sld [smem:$0x3FFD];
	_ =	sdelay $0x3  }
0x99: {  	_ =	strace s6  }
0x9a: {  	_ =	strace $0x8FFFFFFF  }
0x9b: {  	s20 =	sld [smem:$0x3FDB];
	_ =	sdelay $0x1  }
0x9c: {  	s7 =	simm.s32 $_scs_section_size  }
0x9d: {  	s8 =	simm.s32 $_size__tile_overlayer_lowered;
	s9 =	simm.s32 $_tile_overlayer_lowered  }
0x9e: {  	s23 =	simm.s32 $0x1BFF;
	s22 =	sshll.u32 s9, $0x1;
	s6 =	sadd.s32 s7, s20  }
0x9f: {  	s10 =	simm.s32 $0x0;
	s21 =	sshll.u32 s8, $0x1;
	s8 =	sadd.s32 s22, s6  }
0xa0: {  	[timem:s10], [sflag:s23] =	dma.local [hbm:s8], s21  }
0xa1: {  	_ =	swait.ge [sflag:s23], s21  }
0xa2: {  	s7 =	ssub.s32 $0x0, s21;
	[sflag:s23] =	ssyncset.done $0x0  }
0xa3: {  	[sflag:s23] =	ssyncadd.s32 s7;
	_ =	sdelay $0x1  }
0xa4: {  	s24 =	simm.s32 $0x1B8B  }
0xa5: {  	_ =	swait.ge [sflag:s24], $0x1  }
0xa6: {  	[sflag:s24] =	ssyncset.done $0x0  }
0xa7: {  	s25 =	simm.s32 $0x1B8E;
	[sflag:s24] =	ssyncadd.s32 $0xFFFFFFFF  }
0xa8: {  	s26 =	simm.s32 $execute0_lowered;
	[smem:$0x3FD2] =	sst s25  }
0xa9: {  	s7 =	sshll.u32 s26, $0x1;
	_ =	strace $0x80000046;
	[dreg:$0x1] =	wrdreg $0xFFFFFFFF  }
0xaa: {  	s28 =	simm.s32 $_size_execute0_lowered;
	s6 =	sadd.s32 s6, s7;
	[dreg:$0x0] =	wrdreg $0x0  }
0xab: {  	s7 =	sshll.u32 s28, $0x1;
	[dreg:$0x2] =	wrdreg s6  }
0xac: {  	[dreg:$0x3] =	wrdreg s7  }
0xad: {  	[dreg:$0x4] =	wrdreg $0xC0  }
0xae: {  	_ =	task [dreg:s10], $0x5FFFF  }
0xaf: {  	[dreg:$0x1] =	wrdreg $0xFFFFFFFF  }
0xb0: {  	[dreg:$0x0] =	wrdreg $0x60  }
0xb1: {  	[dreg:$0x2] =	wrdreg s2  }
0xb2: {  	[dreg:$0x3] =	wrdreg s19  }
0xb3: {  	[dreg:$0x4] =	wrdreg s4  }
0xb4: {  	[dreg:$0x5] =	wrdreg s5  }
0xb5: {  	[dreg:$0x6] =	wrdreg $0x0  }
0xb6: {  	[dreg:$0x7] =	wrdreg $0x9  }
0xb7: {  	_ =	task.clear_ibuf [dreg:s10], $0x8FFFF;
	_ =	strace $0x90000046  }
0xb8: {  	s29 =	simm.s32 $0x9;
	_ =	strace $0x80000048  }
0xb9: {  	_ =	swait.ge [sflag:s29], $0x1  }
0xba: {  	[sflag:s29] =	ssyncadd.s32 $0xFFFFFFFF  }
0xbb: {  	_ =	strace $0x90000048  }
0xbc: {  	_ =	sfence  }
0xbd: {  	s30 =	sld [smem:$0x0];
	_ =	sdelay $0x2  }
0xbe: {  	s31 =	sshll.u32 s1, $0xD;
	s1 =	sshrl.u32 s1, $0x2  }
0xbf: {  	s3 =	sand.u32 $0x4000, s31;
	s1 =	sadd.s32 s1, s30  }
0xc0: {  	s0 =	sor.u32 s3, s0;
	s1 =	sshll.u32 s1, $0x11  }
0xc1: {  	s0 =	sor.u32 s1, s0  }
0xc2: {  	s0 =	sadd.s32 $0x8F2B, s0  }
0xc3: {  	[sflag:s0] =	ssyncadd.remote.s32 $0x1  }
0xc4: {  	_ =	sfence.sel $0xFFFF  }
0xc5: {  	[dreg:$0x0] =	wrdreg $0xFFFFFFFF;
	(pc) =	sbr.abs _section_cstart, $3  }
0xc6: {  	[dreg:$0x1] =	wrdreg $0xFFFFFFFF  }
0xc7: {  	_ =	task.clear_ibuf [dreg:s10], $0x2FFFF;
	_ =	strace $0x9FFFFFFF  }
0xc8: {  	(tm) =	ssettm $0x7FFFFFFF  }
0xc9: {  	_ =	shalt  }
tec
execute0_lowered:
.L_overlay_start_1:
0x0: {  	(tag) =	ssettag $0x1  }
0x1: {  	s0 =	rddreg [dreg:$0x0]  }
0x2: {  	s1 =	rddreg [dreg:$0x1]  }
0x3: {  	s2 =	srdreg.scid;
	s6 =	rddreg [dreg:$0x3]  }
0x4: {  	s8 =	stileid.u32;
	s3 =	rddreg [dreg:$0x4];
	s28 =	simm.s32 $0x18A28  }
0x5: {  	s29 =	simm.s32 $0x1;
	s30 =	simm.s32 $0x3200;
	s31 =	simm.s32 $0x2  }
0x6: {  	s2 =	sand.u32 $0x1, s2;
	s4 =	sshll.u32 s8, $0x1;
	s8 =	smul.u32 $0xFA00, s8  }
0x7: {  	s7 =	sor.u32 s2, s4;
	s4 =	simm.s32 $0x0;
	s2 =	ssub.s32 $0x2, s2  }
0x8: {  	s5 =	smul.u32 $0xC800, s7;
	[smem:$0x7FF] =	sst s4;
	s9 =	sshrl.u32 s2, $0x1  }
0x9: {  	s17 =	smin.u32 s8, $0xE4840;
	s26 =	sshll.u32 s7, $0x6;
	_ =	strace $0x80000047  }
0xa: {  	s2 =	ssub.s32 s2, s9;
	s19 =	sshrl.u32 s17, $0x3;
	s20 =	sadd.s32 $0x3200, s17  }
0xb: {  	s12 =	sadd.s32 $0x6400, s17;
	s10 =	sadd.s32 s17, s3;
	s23 =	sadd.s32 $0x9600, s17  }
0xc: {  	s5 =	sshrl.u32 s5, $0x3;
	s8 =	sadd.s32 s1, s19;
	s21 =	sshrl.u32 s20, $0x3  }
0xd: {  	[dreg:$0x8] =	wrdreg s10;
	s22 =	sshrl.u32 s12, $0x3;
	s10 =	sadd.s32 s20, s3  }
0xe: {  	s12 =	sadd.s32 s12, s3;
	s24 =	sshrl.u32 s23, $0x3;
	s14 =	sadd.s32 s23, s3  }
0xf: {  	s19 =	sadd.s32 s6, s26;
	s20 =	smax.u32 s2, $0x1;
	s26 =	simm.s32 $0x5  }
0x10: {  	s2 =	simm.s32 $0x3;
	s23 =	simm.s32 $0x0;
	s5 =	sadd.s32 s0, s5  }
0x11: {  	[dreg:$0x7] =	wrdreg s8;
	s8 =	sadd.s32 s1, s21;
	s11 =	sadd.s32 s1, s22  }
0x12: {  	s0 =	sadd.s32 $0xC800, s17;
	s13 =	sadd.s32 s1, s24;
	s21 =	simm.s32 $0xF428  }
0x13: {  	v0 =	vlaneseq.u32;
	s22 =	simm.s32 $0x12628;
	s24 =	simm.s32 $0x6;
	s18 =	sadd.s32 $0x640, s5  }
0x14: {  	v0 =	vmul.u32 $0x64, v0;
	[dreg:$0x9] =	wrdreg s8;
	s25 =	sshrl.u32 s0, $0x3;
	s16 =	sadd.s32 s0, s3  }
0x15: {  	s17 =	sadd.s32 $0xC80, s5;
	s0 =	simm.s32 $0x4;
	[dreg:$0x6] =	wrdreg s18  }
0x16: {  	v1 =	vadd.s32 $0x4, v0;
	s15 =	sadd.s32 s1, s25;
	s18 =	sadd.s32 $0x12C0, s5;
	s25 =	simm.s32 $0x15828  }
.LBB2_1:
0x17: {  	[tilespmem:s21], [sflag:$0x1] =	stream.linear.gather [hbm4b:s5+s4], $0x3200, $0x38;
	[tilespmem:$0x1BEA8] =	vst v63  }
0x18: {  	s1 =	rddreg [dreg:$0x6]  }
0x19: {  	[tilespmem:s22], [sflag:$0x2] =	stream.linear.gather [hbm4b:s1+s4], $0x3200, $0x38;
	[tilespmem:$0x1BEA8] =	vst v63  }
0x1a: {  	s9 =	rddreg [dreg:$0x2];
	s6 =	simm.s32 $0x1BE28  }
0x1b: {  	[tilespmem:s6], [sflag:$0x6] =	stream.linear.gather [hbm4b:s9+s4], $0x80, $0x38;
	[tilespmem:$0x1BEA8] =	vst v63  }
0x1c: {  	_ =	swait.ge [sflag:s24], $0x80  }
0x1d: {  	[sflag:s24] =	ssyncset.done $0x0  }
0x1e: {  	s7 =	rddreg [dreg:$0x7];
	[sflag:s24] =	ssyncadd.s32 $0xFFFFFF80  }
0x1f: {  	[tilespmem:s25], [sflag:$0x5] =	stream.linear.gather [hbm4b:s7+s4], $0x3200, $0x38;
	[tilespmem:$0x1BEA8] =	vst v63  }
0x20: {  	_ =	swait.ge [sflag:s26], $0x3200  }
0x21: {  	[sflag:s26] =	ssyncset.done $0x0  }
0x22: {  	s8 =	rddreg [dreg:$0x8];
	[sflag:s26] =	ssyncadd.s32 $0xFFFFCE00  }
0x23: {  	[spmem:s8] =	stream.linear.scatter [tilespmem:s25], [sflag:$0x5], $0x3200, $0x38;
	[tilespmem:$0x1BEA8] =	vst v63  }
0x24: {  	_ =	swait.ge [sflag:s26], $0x3200  }
0x25: {  	[sflag:s26] =	ssyncset.done $0x0  }
0x26: {  	s9 =	rddreg [dreg:$0x9];
	[sflag:s26] =	ssyncadd.s32 $0xFFFFCE00  }
0x27: {  	[tilespmem:s28], [sflag:$0x5] =	stream.linear.gather [hbm4b:s9+s4], $0x3200, $0x38;
	[tilespmem:$0x1BEA8] =	vst v63  }
0x28: {  	_ =	swait.ge [sflag:s26], $0x3200  }
0x29: {  	[sflag:s26] =	ssyncset.done $0x0  }
0x2a: {  	[sflag:s26] =	ssyncadd.s32 $0xFFFFCE00  }
0x2b: {  	[spmem:s10] =	stream.linear.scatter [tilespmem:s28], [sflag:$0x5], $0x3200, $0x38;
	[tilespmem:$0x1BEA8] =	vst v63  }
0x2c: {  	_ =	swait.ge [sflag:s26], $0x3200  }
0x2d: {  	[sflag:s26] =	ssyncset.done $0x0  }
0x2e: {  	[sflag:s26] =	ssyncadd.s32 $0xFFFFCE00  }
0x2f: {  	[tilespmem:s25], [sflag:$0x5] =	stream.linear.gather [hbm4b:s11+s4], $0x3200, $0x38;
	[tilespmem:$0x1BEA8] =	vst v63  }
0x30: {  	_ =	swait.ge [sflag:s26], $0x3200  }
0x31: {  	[sflag:s26] =	ssyncset.done $0x0  }
0x32: {  	[sflag:s26] =	ssyncadd.s32 $0xFFFFCE00  }
0x33: {  	[spmem:s12] =	stream.linear.scatter [tilespmem:s25], [sflag:$0x5], $0x3200, $0x38;
	[tilespmem:$0x1BEA8] =	vst v63  }
0x34: {  	_ =	swait.ge [sflag:s26], $0x3200  }
0x35: {  	[sflag:s26] =	ssyncset.done $0x0  }
0x36: {  	[sflag:s26] =	ssyncadd.s32 $0xFFFFCE00  }
0x37: {  	[tilespmem:s28], [sflag:$0x5] =	stream.linear.gather [hbm4b:s13+s4], $0x3200, $0x38;
	[tilespmem:$0x1BEA8] =	vst v63  }
0x38: {  	_ =	swait.ge [sflag:s26], $0x3200  }
0x39: {  	[sflag:s26] =	ssyncset.done $0x0  }
0x3a: {  	[sflag:s26] =	ssyncadd.s32 $0xFFFFCE00  }
0x3b: {  	[spmem:s14] =	stream.linear.scatter [tilespmem:s28], [sflag:$0x5], $0x3200, $0x38;
	[tilespmem:$0x1BEA8] =	vst v63  }
0x3c: {  	_ =	swait.ge [sflag:s26], $0x3200  }
0x3d: {  	[sflag:s26] =	ssyncset.done $0x0  }
0x3e: {  	[sflag:s26] =	ssyncadd.s32 $0xFFFFCE00  }
0x3f: {  	[tilespmem:s25], [sflag:$0x5] =	stream.linear.gather [hbm4b:s15+s4], $0x3200, $0x38;
	[tilespmem:$0x1BEA8] =	vst v63  }
0x40: {  	_ =	swait.ge [sflag:s26], $0x3200  }
0x41: {  	[sflag:s26] =	ssyncset.done $0x0  }
0x42: {  	[sflag:s26] =	ssyncadd.s32 $0xFFFFCE00  }
0x43: {  	[spmem:s16] =	stream.linear.scatter [tilespmem:s25], [sflag:$0x5], $0x3200, $0x38;
	[tilespmem:$0x1BEA8] =	vst v63  }
0x44: {  	_ =	swait.ge [sflag:s26], $0x3200  }
0x45: {  	[sflag:s26] =	ssyncset.done $0x0  }
0x46: {  	[sflag:s26] =	ssyncadd.s32 $0xFFFFCE00  }
0x47: {  	[bflag:$0x0] =	sbarrier.arrive $0xFFFF  }
0x48: {  	v2 =	vld [tilespmem:$0x1BE28];
	_ =	swait.ge [sflag:s29], $0x3200  }
0x49: {  	[sflag:s29] =	ssyncset.done $0x0  }
0x4a: {  	[sflag:s29] =	ssyncadd.s32 $0xFFFFCE00  }
0x4b: {  	[tilespmem:s25], [sflag:$0x3] =	stream.indirect.gather [spmem:s3], $0x1, s21, s30, $0xb8;
	[tilespmem:$0x1BEA8] =	vst v63  }
0x4c: {  	_ =	swait.ge [sflag:s31], $0x3200  }
0x4d: {  	[sflag:s31] =	ssyncset.done $0x0  }
0x4e: {  	[sflag:s31] =	ssyncadd.s32 $0xFFFFCE00  }
0x4f: {  	[tilespmem:s28], [sflag:$0x4] =	stream.indirect.gather [spmem:s3], $0x1, s22, s30, $0xb8;
	[tilespmem:$0x1BEA8] =	vst v63  }
0x50: {  	_ =	swait.ge [sflag:s2], $0x3200  }
0x51: {  	[sflag:s2] =	ssyncset.done $0x0  }
0x52: {  	s1 =	simm.s32 $0x0;
	[sflag:s2] =	ssyncadd.s32 $0xFFFFCE00  }
0x53: {  	[tilespmem:s21], [sflag:$0x1] =	stream.linear.gather [hbm4b:s17+s4], $0x3200, $0x38;
	[tilespmem:$0x1BEA8] =	vst v63  }
.LBB2_2:
0x54: {  	s6 =	smul.u32 $0x640, s1;
	_ =	sdelay $0x1  }
0x55: {  	v3 =	vadd.s32 s6, v0  }
0x56: {  	s7 =	simm.s32 $0x1  }
0x57: {  	s8 =	simm.s32 $0x2;
	v5 =	vadd.s32 s7, v3  }
0x58: {  	v7 =	vadd.s32 s8, v3  }
0x59: {  	s8 =	simm.s32 $0x3  }
0x5a: {  	v9 =	vadd.s32 s8, v3;
	v6 =	vld.idx.msk [tilespmem:v3+s25+$0x0], $0xffff  }
0x5b: {  	s9 =	simm.s32 $0x0;
	v4 =	vadd.s32 s6, v1  }
0x5c: {  	v8 =	vadd.s32 s9, v4;
	v5 =	vld.idx.msk [tilespmem:v5+s25+$0x0], $0xffff  }
0x5d: {  	v10 =	vimm.f32 $0.0e+00;
	s6 =	simm.s32 $0x4;
	s7 =	simm.s32 $0x8;
	s8 =	simm.s32 $0x5;
	v7 =	vld.idx.msk [tilespmem:v7+s25+$0x0], $0xffff  }
.LBB2_3:
0x5e: {  	p0 =	slt.u32 s7, $0x60;
	v11 =	vadd.s32 s8, v3  }
0x5f: {  	s8 =	sadd.s32 $0x2, s6;
	v10 =	vadd.f32 v6, v10;
	v12 =	vld.idx.msk [tilespmem:v9+s25+$0x0], $0xffff  }
0x60: {  	v13 =	vadd.s32 s8, v3  }
.Ltmp0:
0x61: {  	s8 =	sadd.s32 $0x3, s6;
	v6 =	vld.idx.msk [tilespmem:v8+s25+$0x0], $0xffff;
	v8 =	vadd.f32 v5, v10;
	(pc) =	sbr.rel @p0 .LBB2_3-.Ltmp0, $4  }
0x62: {  	v9 =	vadd.s32 s8, v3  }
0x63: {  	v5 =	vld.idx.msk [tilespmem:v11+s25+$0x0], $0xffff;
	v10 =	vadd.f32 v7, v8  }
0x64: {  	v8 =	vadd.s32 s6, v4;
	s6 =	smov.u32 s7  }
0x65: {  	s7 =	sadd.s32 $0x4, s7;
	s8 =	sadd.s32 $0x1, s6;
	v7 =	vld.idx.msk [tilespmem:v13+s25+$0x0], $0xffff;
	v10 =	vadd.f32 v12, v10  }
0x66: {  	_ =	sdelay $0x2  }
0x67: {  	v4 =	vadd.s32 s8, v3;
	v6 =	vadd.f32 v6, v10  }
0x68: {  	s7 =	sadd.s32 $0x2, s6;
	v9 =	vld.idx.msk [tilespmem:v9+s25+$0x0], $0xffff  }
0x69: {  	v61 =	vadd.s32 s7, v3;
	v5 =	vadd.f32 v5, v6  }
0x6a: {  	v62 =	vld.idx.msk [tilespmem:v8+s25+$0x0], $0xffff;
	s8 =	sadd.s32 $0x3, s6  }
0x6b: {  	v3 =	vadd.s32 s8, v3;
	v5 =	vadd.f32 v7, v5  }
0x6c: {  	v4 =	vld.idx.msk [tilespmem:v4+s25+$0x0], $0xffff  }
0x6d: {  	v5 =	vadd.f32 v9, v5  }
0x6e: {  	v63 =	vld.idx.msk [tilespmem:v61+s25+$0x0], $0xffff  }
0x6f: {  	v5 =	vadd.f32 v62, v5  }
0x70: {  	v3 =	vld.idx.msk [tilespmem:v3+s25+$0x0], $0xffff  }
0x71: {  	v4 =	vadd.f32 v4, v5;
	_ =	sdelay $0x1  }
0x72: {  	v4 =	vadd.f32 v63, v4;
	_ =	sdelay $0x1  }
0x73: {  	v3 =	vadd.f32 v3, v4;
	_ =	sdelay $0x1  }
0x74: {  	v3 =	vadd.f32 v3, v2;
	_ =	sdelay $0x1  }
0x75: {  	v3 =	vsub.f32 $0.0e+00, v3;
	_ =	sdelay $0x1  }
0x76: {  	v3 =	vmul.f32 $1.442695020e+00, v3;
	_ =	sdelay $0x1  }
0x77: {  	(erf) = vpow2.f32 v3;
	_ =	sdelay $0x8  }
0x78: {  	v3 =	vpop (erf)  }
0x79: {  	v3 =	vadd.f32 $1.000000000e+00, v3;
	_ =	sdelay $0x1  }
0x7a: {  	(erf) = vrcp.f32 v3;
	_ =	sdelay $0x3  }
0x7b: {  	s9 =	sshll.u32 s1, $0x4;
	s1 =	sadd.s32 $0x1, s1  }
0x7c: {  	p0 =	sne.s32 s1, $0x8  }
.Ltmp1:
0x7d: {  	_ = 	snop;
	(pc) =	sbr.rel @p0 .LBB2_2-.Ltmp1, $3  }
0x7e: {  	_ =	sdelay $0x1  }
0x7f: {  	s6 =	sand.u32 $0x3FFFFFF0, s9;
	v3 =	vpop (erf)  }
0x80: {  	[tilespmem:s6+$0x1BC28] =	vst v3  }
0x81: {  	_ =	swait.ge [sflag:s29], $0x3200  }
0x82: {  	[sflag:s29] =	ssyncset.done $0x0  }
0x83: {  	[sflag:s29] =	ssyncadd.s32 $0xFFFFCE00  }
0x84: {  	[tilespmem:s25], [sflag:$0x3] =	stream.indirect.gather [spmem:s3], $0x1, s21, s30, $0xb8;
	[tilespmem:$0x1BEA8] =	vst v63  }
0x85: {  	_ =	swait.ge [sflag:s0], $0x3200  }
0x86: {  	[sflag:s0] =	ssyncset.done $0x0  }
0x87: {  	s1 =	simm.s32 $0x0;
	s6 =	simm.s32 $0x0;
	[sflag:s0] =	ssyncadd.s32 $0xFFFFCE00  }
0x88: {  	[tilespmem:s22], [sflag:$0x2] =	stream.linear.gather [hbm4b:s18+s1], $0x3200, $0x38;
	[tilespmem:$0x1BEA8] =	vst v63  }
.LBB2_6:
0x89: {  	s7 =	smul.u32 $0x640, s6;
	_ =	sdelay $0x1  }
0x8a: {  	s7 =	sadd.s32 $0x3200, s7  }
0x8b: {  	v3 =	vadd.s32 s7, v0  }
0x8c: {  	s8 =	simm.s32 $0x1  }
0x8d: {  	s9 =	simm.s32 $0x2;
	v4 =	vadd.s32 s8, v3  }
0x8e: {  	v7 =	vadd.s32 s9, v3  }
0x8f: {  	s9 =	simm.s32 $0x3  }
0x90: {  	v9 =	vadd.s32 s9, v3;
	v6 =	vld.idx.msk [tilespmem:v3+s25+$0x0], $0xffff  }
0x91: {  	v5 =	vadd.s32 s7, v1  }
0x92: {  	v8 =	vadd.s32 s1, v5;
	v4 =	vld.idx.msk [tilespmem:v4+s25+$0x0], $0xffff  }
0x93: {  	v10 =	vimm.f32 $0.0e+00;
	s7 =	simm.s32 $0x4;
	s8 =	simm.s32 $0x8;
	s9 =	simm.s32 $0x5;
	v7 =	vld.idx.msk [tilespmem:v7+s25+$0x0], $0xffff  }
.LBB2_7:
0x94: {  	p0 =	slt.u32 s8, $0x60;
	v11 =	vadd.s32 s9, v3  }
0x95: {  	s9 =	sadd.s32 $0x2, s7;
	v10 =	vadd.f32 v6, v10;
	v12 =	vld.idx.msk [tilespmem:v9+s25+$0x0], $0xffff  }
0x96: {  	v13 =	vadd.s32 s9, v3  }
.Ltmp2:
0x97: {  	s9 =	sadd.s32 $0x3, s7;
	v6 =	vld.idx.msk [tilespmem:v8+s25+$0x0], $0xffff;
	v8 =	vadd.f32 v4, v10;
	(pc) =	sbr.rel @p0 .LBB2_7-.Ltmp2, $4  }
0x98: {  	v9 =	vadd.s32 s9, v3  }
0x99: {  	v4 =	vld.idx.msk [tilespmem:v11+s25+$0x0], $0xffff;
	v10 =	vadd.f32 v7, v8  }
0x9a: {  	v8 =	vadd.s32 s7, v5;
	s7 =	smov.u32 s8  }
0x9b: {  	s8 =	sadd.s32 $0x4, s8;
	s9 =	sadd.s32 $0x1, s7;
	v7 =	vld.idx.msk [tilespmem:v13+s25+$0x0], $0xffff;
	v10 =	vadd.f32 v12, v10  }
0x9c: {  	_ =	sdelay $0x2  }
0x9d: {  	v5 =	vadd.s32 s9, v3;
	v6 =	vadd.f32 v6, v10  }
0x9e: {  	s8 =	sadd.s32 $0x2, s7;
	v9 =	vld.idx.msk [tilespmem:v9+s25+$0x0], $0xffff  }
0x9f: {  	v61 =	vadd.s32 s8, v3;
	v4 =	vadd.f32 v4, v6  }
0xa0: {  	v62 =	vld.idx.msk [tilespmem:v8+s25+$0x0], $0xffff;
	s8 =	sadd.s32 $0x3, s7  }
0xa1: {  	v3 =	vadd.s32 s8, v3;
	v4 =	vadd.f32 v7, v4  }
0xa2: {  	v5 =	vld.idx.msk [tilespmem:v5+s25+$0x0], $0xffff  }
0xa3: {  	v4 =	vadd.f32 v9, v4  }
0xa4: {  	v63 =	vld.idx.msk [tilespmem:v61+s25+$0x0], $0xffff  }
0xa5: {  	v4 =	vadd.f32 v62, v4  }
0xa6: {  	v3 =	vld.idx.msk [tilespmem:v3+s25+$0x0], $0xffff  }
0xa7: {  	v4 =	vadd.f32 v5, v4;
	_ =	sdelay $0x1  }
0xa8: {  	v4 =	vadd.f32 v63, v4;
	_ =	sdelay $0x1  }
0xa9: {  	v3 =	vadd.f32 v3, v4;
	_ =	sdelay $0x1  }
0xaa: {  	v3 =	vadd.f32 v3, v2;
	_ =	sdelay $0x1  }
0xab: {  	v3 =	vsub.f32 $0.0e+00, v3;
	_ =	sdelay $0x1  }
0xac: {  	v3 =	vmul.f32 $1.442695020e+00, v3;
	_ =	sdelay $0x1  }
0xad: {  	(erf) = vpow2.f32 v3;
	_ =	sdelay $0x8  }
0xae: {  	v3 =	vpop (erf)  }
0xaf: {  	v3 =	vadd.f32 $1.000000000e+00, v3;
	_ =	sdelay $0x1  }
0xb0: {  	(erf) = vrcp.f32 v3;
	_ =	sdelay $0x3  }
0xb1: {  	s9 =	sshll.u32 s6, $0x4;
	s6 =	sadd.s32 $0x1, s6  }
0xb2: {  	p0 =	sne.s32 s6, $0x8  }
.Ltmp3:
0xb3: {  	_ = 	snop;
	(pc) =	sbr.rel @p0 .LBB2_6-.Ltmp3, $3  }
0xb4: {  	_ =	sdelay $0x1  }
0xb5: {  	s7 =	sand.u32 $0x3FFFFFF0, s9;
	v3 =	vpop (erf)  }
0xb6: {  	[tilespmem:s7+$0x1BCA8] =	vst v3  }
0xb7: {  	_ =	swait.ge [sflag:s31], $0x3200  }
0xb8: {  	[sflag:s31] =	ssyncset.done $0x0  }
0xb9: {  	[sflag:s31] =	ssyncadd.s32 $0xFFFFCE00  }
0xba: {  	[tilespmem:s28], [sflag:$0x4] =	stream.indirect.gather [spmem:s3], $0x1, s22, s30, $0xb8;
	[tilespmem:$0x1BEA8] =	vst v63  }
0xbb: {  	_ =	swait.ge [sflag:s2], $0x3200  }
0xbc: {  	[sflag:s2] =	ssyncset.done $0x0  }
0xbd: {  	s1 =	simm.s32 $0x0;
	s6 =	simm.s32 $0x0;
	[sflag:s2] =	ssyncadd.s32 $0xFFFFCE00  }
.LBB2_10:
0xbe: {  	s7 =	smul.u32 $0x640, s6;
	_ =	sdelay $0x1  }
0xbf: {  	v3 =	vadd.s32 s7, v0  }
0xc0: {  	s8 =	simm.s32 $0x1  }
0xc1: {  	s9 =	simm.s32 $0x2;
	v4 =	vadd.s32 s8, v3  }
0xc2: {  	v7 =	vadd.s32 s9, v3  }
0xc3: {  	s9 =	simm.s32 $0x3  }
0xc4: {  	v9 =	vadd.s32 s9, v3;
	v6 =	vld.idx.msk [tilespmem:v3+s25+$0x0], $0xffff  }
0xc5: {  	v5 =	vadd.s32 s7, v1  }
0xc6: {  	v8 =	vadd.s32 s1, v5;
	v4 =	vld.idx.msk [tilespmem:v4+s25+$0x0], $0xffff  }
0xc7: {  	v10 =	vimm.f32 $0.0e+00;
	s7 =	simm.s32 $0x4;
	s8 =	simm.s32 $0x8;
	s9 =	simm.s32 $0x5;
	v7 =	vld.idx.msk [tilespmem:v7+s25+$0x0], $0xffff  }
.LBB2_11:
0xc8: {  	p0 =	slt.u32 s8, $0x60;
	v11 =	vadd.s32 s9, v3  }
0xc9: {  	s9 =	sadd.s32 $0x2, s7;
	v10 =	vadd.f32 v6, v10;
	v12 =	vld.idx.msk [tilespmem:v9+s25+$0x0], $0xffff  }
0xca: {  	v13 =	vadd.s32 s9, v3  }
.Ltmp4:
0xcb: {  	s9 =	sadd.s32 $0x3, s7;
	v6 =	vld.idx.msk [tilespmem:v8+s25+$0x0], $0xffff;
	v8 =	vadd.f32 v4, v10;
	(pc) =	sbr.rel @p0 .LBB2_11-.Ltmp4, $4  }
0xcc: {  	v9 =	vadd.s32 s9, v3  }
0xcd: {  	v4 =	vld.idx.msk [tilespmem:v11+s25+$0x0], $0xffff;
	v10 =	vadd.f32 v7, v8  }
0xce: {  	v8 =	vadd.s32 s7, v5;
	s7 =	smov.u32 s8  }
0xcf: {  	s8 =	sadd.s32 $0x4, s8;
	s9 =	sadd.s32 $0x1, s7;
	v7 =	vld.idx.msk [tilespmem:v13+s25+$0x0], $0xffff;
	v10 =	vadd.f32 v12, v10  }
0xd0: {  	_ =	sdelay $0x2  }
0xd1: {  	v5 =	vadd.s32 s9, v3;
	v6 =	vadd.f32 v6, v10  }
0xd2: {  	s8 =	sadd.s32 $0x2, s7;
	v9 =	vld.idx.msk [tilespmem:v9+s25+$0x0], $0xffff  }
0xd3: {  	v61 =	vadd.s32 s8, v3;
	v4 =	vadd.f32 v4, v6  }
0xd4: {  	v62 =	vld.idx.msk [tilespmem:v8+s25+$0x0], $0xffff;
	s8 =	sadd.s32 $0x3, s7  }
0xd5: {  	v3 =	vadd.s32 s8, v3;
	v4 =	vadd.f32 v7, v4  }
0xd6: {  	v5 =	vld.idx.msk [tilespmem:v5+s25+$0x0], $0xffff  }
0xd7: {  	v4 =	vadd.f32 v9, v4  }
0xd8: {  	v63 =	vld.idx.msk [tilespmem:v61+s25+$0x0], $0xffff  }
0xd9: {  	v4 =	vadd.f32 v62, v4  }
0xda: {  	v3 =	vld.idx.msk [tilespmem:v3+s25+$0x0], $0xffff  }
0xdb: {  	v4 =	vadd.f32 v5, v4;
	_ =	sdelay $0x1  }
0xdc: {  	v4 =	vadd.f32 v63, v4;
	_ =	sdelay $0x1  }
0xdd: {  	v3 =	vadd.f32 v3, v4;
	_ =	sdelay $0x1  }
0xde: {  	v3 =	vadd.f32 v3, v2;
	_ =	sdelay $0x1  }
0xdf: {  	v3 =	vsub.f32 $0.0e+00, v3;
	_ =	sdelay $0x1  }
0xe0: {  	v3 =	vmul.f32 $1.442695020e+00, v3;
	_ =	sdelay $0x1  }
0xe1: {  	(erf) = vpow2.f32 v3;
	_ =	sdelay $0x8  }
0xe2: {  	v3 =	vpop (erf)  }
0xe3: {  	v3 =	vadd.f32 $1.000000000e+00, v3;
	_ =	sdelay $0x1  }
0xe4: {  	(erf) = vrcp.f32 v3;
	_ =	sdelay $0x3  }
0xe5: {  	s9 =	sshll.u32 s6, $0x4;
	s6 =	sadd.s32 $0x1, s6  }
0xe6: {  	p0 =	sne.s32 s6, $0x8  }
.Ltmp5:
0xe7: {  	_ = 	snop;
	(pc) =	sbr.rel @p0 .LBB2_10-.Ltmp5, $3  }
0xe8: {  	_ =	sdelay $0x1  }
0xe9: {  	s7 =	sand.u32 $0x3FFFFFF0, s9;
	v3 =	vpop (erf)  }
0xea: {  	[tilespmem:s7+$0x1BD28] =	vst v3  }
0xeb: {  	_ =	swait.ge [sflag:s0], $0x3200  }
0xec: {  	[sflag:s0] =	ssyncset.done $0x0  }
0xed: {  	s1 =	simm.s32 $0x0;
	s6 =	simm.s32 $0x0;
	[sflag:s0] =	ssyncadd.s32 $0xFFFFCE00  }
.LBB2_14:
0xee: {  	s7 =	smul.u32 $0x640, s6;
	_ =	sdelay $0x1  }
0xef: {  	s7 =	sadd.s32 $0x3200, s7  }
0xf0: {  	v3 =	vadd.s32 s7, v0  }
0xf1: {  	s8 =	simm.s32 $0x1  }
0xf2: {  	s9 =	simm.s32 $0x2;
	v4 =	vadd.s32 s8, v3  }
0xf3: {  	v7 =	vadd.s32 s9, v3  }
0xf4: {  	s9 =	simm.s32 $0x3  }
0xf5: {  	v9 =	vadd.s32 s9, v3;
	v6 =	vld.idx.msk [tilespmem:v3+s25+$0x0], $0xffff  }
0xf6: {  	v5 =	vadd.s32 s7, v1  }
0xf7: {  	v8 =	vadd.s32 s1, v5;
	v4 =	vld.idx.msk [tilespmem:v4+s25+$0x0], $0xffff  }
0xf8: {  	v10 =	vimm.f32 $0.0e+00;
	s7 =	simm.s32 $0x4;
	s8 =	simm.s32 $0x8;
	s9 =	simm.s32 $0x5;
	v7 =	vld.idx.msk [tilespmem:v7+s25+$0x0], $0xffff  }
.LBB2_15:
0xf9: {  	p0 =	slt.u32 s8, $0x60;
	v11 =	vadd.s32 s9, v3  }
0xfa: {  	s9 =	sadd.s32 $0x2, s7;
	v10 =	vadd.f32 v6, v10;
	v12 =	vld.idx.msk [tilespmem:v9+s25+$0x0], $0xffff  }
0xfb: {  	v13 =	vadd.s32 s9, v3  }
.Ltmp6:
0xfc: {  	s9 =	sadd.s32 $0x3, s7;
	v6 =	vld.idx.msk [tilespmem:v8+s25+$0x0], $0xffff;
	v8 =	vadd.f32 v4, v10;
	(pc) =	sbr.rel @p0 .LBB2_15-.Ltmp6, $4  }
0xfd: {  	v9 =	vadd.s32 s9, v3  }
0xfe: {  	v4 =	vld.idx.msk [tilespmem:v11+s25+$0x0], $0xffff;
	v10 =	vadd.f32 v7, v8  }
0xff: {  	v8 =	vadd.s32 s7, v5;
	s7 =	smov.u32 s8  }
0x100: {  	s8 =	sadd.s32 $0x4, s8;
	s9 =	sadd.s32 $0x1, s7;
	v7 =	vld.idx.msk [tilespmem:v13+s25+$0x0], $0xffff;
	v10 =	vadd.f32 v12, v10  }
0x101: {  	_ =	sdelay $0x2  }
0x102: {  	v5 =	vadd.s32 s9, v3;
	v6 =	vadd.f32 v6, v10  }
0x103: {  	s8 =	sadd.s32 $0x2, s7;
	v9 =	vld.idx.msk [tilespmem:v9+s25+$0x0], $0xffff  }
0x104: {  	v61 =	vadd.s32 s8, v3;
	v4 =	vadd.f32 v4, v6  }
0x105: {  	v62 =	vld.idx.msk [tilespmem:v8+s25+$0x0], $0xffff;
	s8 =	sadd.s32 $0x3, s7  }
0x106: {  	v3 =	vadd.s32 s8, v3;
	v4 =	vadd.f32 v7, v4  }
0x107: {  	v5 =	vld.idx.msk [tilespmem:v5+s25+$0x0], $0xffff  }
0x108: {  	v4 =	vadd.f32 v9, v4  }
0x109: {  	v63 =	vld.idx.msk [tilespmem:v61+s25+$0x0], $0xffff  }
0x10a: {  	v4 =	vadd.f32 v62, v4  }
0x10b: {  	v3 =	vld.idx.msk [tilespmem:v3+s25+$0x0], $0xffff  }
0x10c: {  	v4 =	vadd.f32 v5, v4;
	_ =	sdelay $0x1  }
0x10d: {  	v4 =	vadd.f32 v63, v4;
	_ =	sdelay $0x1  }
0x10e: {  	v3 =	vadd.f32 v3, v4;
	_ =	sdelay $0x1  }
0x10f: {  	v3 =	vadd.f32 v3, v2;
	_ =	sdelay $0x1  }
0x110: {  	v3 =	vsub.f32 $0.0e+00, v3;
	_ =	sdelay $0x1  }
0x111: {  	v3 =	vmul.f32 $1.442695020e+00, v3;
	_ =	sdelay $0x1  }
0x112: {  	(erf) = vpow2.f32 v3;
	_ =	sdelay $0x8  }
0x113: {  	v3 =	vpop (erf)  }
0x114: {  	v3 =	vadd.f32 $1.000000000e+00, v3;
	_ =	sdelay $0x1  }
0x115: {  	(erf) = vrcp.f32 v3;
	_ =	sdelay $0x3  }
0x116: {  	s9 =	sshll.u32 s6, $0x4;
	s6 =	sadd.s32 $0x1, s6  }
0x117: {  	p0 =	sne.s32 s6, $0x8  }
.Ltmp7:
0x118: {  	_ = 	snop;
	(pc) =	sbr.rel @p0 .LBB2_14-.Ltmp7, $3  }
0x119: {  	_ =	sdelay $0x1  }
0x11a: {  	s7 =	sand.u32 $0x3FFFFFF0, s9;
	v3 =	vpop (erf)  }
0x11b: {  	[tilespmem:s7+$0x1BDA8] =	vst v3  }
0x11c: {  	s23 =	sadd.s32 $0x1, s23  }
0x11d: {  	p0 =	sne.s32 s23, s20  }
.Ltmp8:
0x11e: {  	s1 =	simm.s32 $0x1BC28;
	(pc) =	sbr.rel @p0 .LBB2_1-.Ltmp8, $4  }
0x11f: {  	[hbm4b:s19+s4] =	stream.linear.scatter [tilespmem:s1], [sflag:$0x6], $0x200, $0x38;
	[tilespmem:$0x1BEA8] =	vst v63  }
0x120: {  	_ =	swait.ge [sflag:s24], $0x200  }
0x121: {  	[sflag:s24] =	ssyncset.done $0x0  }
0x122: {  	[sflag:s24] =	ssyncadd.s32 $0xFFFFFE00  }
0x123: {  	_ =	sfence.sel $0x180000  }
0x124: {  	[bflag:$0x0] =	sbarrier.arrive $0xFFFF  }
0x125: {  	_ =	strace $0x90000047  }
0x126: {  	s0 =	stileid.u32;
	[bflag:$0x2] =	sbarrier.arrive $0xFFFF  }
0x127: {  	p0 =	sne.s32 s0, $0x0;
	s0 =	rddreg [dreg:$0x5]  }
0x128: {  	s0 =	sadd.s32 @!p0 $0x100000, s0  }
0x129: {  	[sflag:s0] =	ssyncadd.tile.s32 @!p0 $0x1;
	_ =	shalt  }
.Lfunc_end2:
_tile_overlayer_lowered:
.L_overlay_start_2:
0x12a: {  	(tag) =	ssettag $0x2  }
0x12b: {  	s0 =	rddreg [dreg:$0x0];
	s2 =	stileid.u32  }
0x12c: {  	s1 =	rddreg [dreg:$0x1];
	p0 =	sne.s32 s2, $0x0  }
0x12d: {  	s3 =	rddreg [dreg:$0x2];
	[bflag:$0x3] =	sbarrier.arrive $0xFFFF;
	s2 =	simm.s32 @!p0 $0x1C06  }
0x12e: {  	[timem:s3], [sflag:s2] =	dma.local @!p0 [hbm:s0], s1  }
0x12f: {  	s0 =	simm.s32 @!p0 $0x6  }
0x130: {  	_ =	swait.ge @!p0 [sflag:s0], s1  }
0x131: {  	s1 =	ssub.s32 @!p0 $0x0, s1;
	[sflag:s0] =	ssyncset.done @!p0 $0x0  }
0x132: {  	[sflag:s0] =	ssyncadd.s32 @!p0 s1  }
0x133: {  	[bflag:$0x3] =	sbarrier.arrive $0xFFFF  }
0x134: {  	_ =	shalt  }

</sc_bundles>
